<compile_context>
chip_gen: v7x
topology: tpu7x:2x2x1
jax: 0.10.2.dev20260603
libtpu: 0.0.44.dev20260713+nightly
codegen_flags: <defaults>
</compile_context>

<pallas_src>
import functools

import jax
import jax.numpy as jnp
from jax import lax
from jax.experimental import pallas as pl
from jax.experimental.pallas import tpu as pltpu
from jax.experimental.pallas import tpu_sc as plsc

NN = 100000
EE = 3200000
BB = 1024

NW = 32
N_PAD = 100352
RPT = N_PAD // 16
EPW = EE // NW

_MESH = dict(core_axis_name="c", subcore_axis_name="s")
_SC_PARAMS = pltpu.CompilerParams(use_tc_tiling_on_sc=False)


def _make_edge_pass(F, K):
    n = EPW // K
    assert n * K == EPW and K % 8 == 0

    mesh = plsc.VectorSubcoreMesh(**_MESH)

    @functools.partial(
        pl.kernel, mesh=mesh, compiler_params=_SC_PARAMS,
        out_type=jax.ShapeDtypeStruct((2 * N_PAD, F), jnp.float32),
        scratch_types=[
            pltpu.VMEM((K,), jnp.int32),
            pltpu.VMEM((K,), jnp.int32),
            pltpu.VMEM((K,), jnp.int32),
            pltpu.VMEM((K,), jnp.int32),
            pltpu.VMEM((K, F), jnp.float32),
            pltpu.VMEM((K, F), jnp.float32),
            pltpu.VMEM_SHARED((N_PAD, F), jnp.float32),
            pltpu.SemaphoreType.DMA,
            pltpu.SemaphoreType.DMA,
            pltpu.SemaphoreType.DMA,
            pltpu.SemaphoreType.DMA,
        ],
    )
    def k(table, srcs, dsts, zrows, out,
          S0, D0, S1, D1, R0, R1, acc, si0, si1, sg0, sg1):
        c = lax.axis_index("c")
        s = lax.axis_index("s")
        wid = s * 2 + c
        row0 = s * RPT
        pltpu.sync_copy(zrows.at[pl.ds(row0, RPT)], acc.at[pl.ds(row0, RPT)])
        plsc.subcore_barrier()

        eb = wid * EPW

        def load(i, S, D, si):
            pltpu.async_copy(srcs.at[pl.ds(eb + i * K, K)], S, si)
            pltpu.async_copy(dsts.at[pl.ds(eb + i * K, K)], D, si)

        def wait_load(S, D, si):
            pltpu.make_async_copy(srcs.at[pl.ds(0, K)], S, si).wait()
            pltpu.make_async_copy(dsts.at[pl.ds(0, K)], D, si).wait()

        def body2(j, carry):
            i0 = 2 * j
            @pl.when(i0 + 1 < n)
            def _():
                wait_load(S1, D1, si1)
            pltpu.make_async_copy(table.at[S0], R0, sg0).wait()

            @pl.when(i0 + 1 < n)
            def _():
                pltpu.async_copy(table.at[S1], R1, sg1)
            pltpu.sync_copy(R0, acc.at[D0], add=True)

            @pl.when(i0 + 2 < n)
            def _():
                load(i0 + 2, S0, D0, si0)

            @pl.when(i0 + 1 < n)
            def _():
                @pl.when(i0 + 2 < n)
                def _():
                    wait_load(S0, D0, si0)
                pltpu.make_async_copy(table.at[S1], R1, sg1).wait()

                @pl.when(i0 + 2 < n)
                def _():
                    pltpu.async_copy(table.at[S0], R0, sg0)
                pltpu.sync_copy(R1, acc.at[D1], add=True)

                @pl.when(i0 + 3 < n)
                def _():
                    load(i0 + 3, S1, D1, si1)
            return carry

        load(0, S0, D0, si0)
        load(1, S1, D1, si1)
        wait_load(S0, D0, si0)
        pltpu.async_copy(table.at[S0], R0, sg0)
        lax.fori_loop(0, (n + 1) // 2, body2, 0)

        plsc.subcore_barrier()
        pltpu.sync_copy(acc.at[pl.ds(row0, RPT)],
                        out.at[pl.ds(c * N_PAD + row0, RPT)])

    return k


_edge16 = _make_edge_pass(16, 800)
_edge8 = _make_edge_pass(8, 2000)


def _make_deg():
    K = 10000
    n = EPW // K
    mesh = plsc.VectorSubcoreMesh(**_MESH)

    @functools.partial(
        pl.kernel, mesh=mesh, compiler_params=_SC_PARAMS,
        out_type=jax.ShapeDtypeStruct((2 * N_PAD,), jnp.float32),
        scratch_types=[
            pltpu.VMEM((K,), jnp.int32),
            pltpu.VMEM((K,), jnp.int32),
            pltpu.VMEM((K,), jnp.float32),
            pltpu.VMEM_SHARED((N_PAD,), jnp.float32),
            pltpu.SemaphoreType.DMA,
            pltpu.SemaphoreType.DMA,
        ],
    )
    def k(dsts, ones_hbm, zrows, out, dst_v, dst_w, ones_v, acc, si0, si1):
        c = lax.axis_index("c")
        s = lax.axis_index("s")
        wid = s * 2 + c
        row0 = s * RPT
        pltpu.sync_copy(ones_hbm, ones_v)
        pltpu.sync_copy(zrows.at[pl.ds(row0, RPT)], acc.at[pl.ds(row0, RPT)])
        plsc.subcore_barrier()

        ebase = wid * EPW

        def body2(j, carry):
            i0 = 2 * j
            pltpu.make_async_copy(dsts.at[pl.ds(0, K)], dst_v, si0).wait()
            pltpu.sync_copy(ones_v, acc.at[dst_v], add=True)

            @pl.when(i0 + 2 < n)
            def _():
                pltpu.async_copy(dsts.at[pl.ds(ebase + (i0 + 2) * K, K)],
                                 dst_v, si0)

            pltpu.make_async_copy(dsts.at[pl.ds(0, K)], dst_w, si1).wait()
            pltpu.sync_copy(ones_v, acc.at[dst_w], add=True)

            @pl.when(i0 + 3 < n)
            def _():
                pltpu.async_copy(dsts.at[pl.ds(ebase + (i0 + 3) * K, K)],
                                 dst_w, si1)
            return carry

        pltpu.async_copy(dsts.at[pl.ds(ebase, K)], dst_v, si0)
        pltpu.async_copy(dsts.at[pl.ds(ebase + K, K)], dst_w, si1)
        lax.fori_loop(0, n // 2, body2, 0)
        plsc.subcore_barrier()
        pltpu.sync_copy(acc.at[pl.ds(row0, RPT)],
                        out.at[pl.ds(c * N_PAD + row0, RPT)])

    return k


_deg = _make_deg()


def _make_pool():
    KP = 800
    ROWS_PER_W = 3200
    mesh = plsc.VectorSubcoreMesh(**_MESH)

    @functools.partial(
        pl.kernel, mesh=mesh, compiler_params=_SC_PARAMS,
        out_type=jax.ShapeDtypeStruct((2 * BB, 8), jnp.float32),
        scratch_types=[
            pltpu.VMEM((KP,), jnp.int32),
            pltpu.VMEM((KP, 8), jnp.float32),
            pltpu.VMEM_SHARED((BB, 8), jnp.float32),
        ],
    )
    def k(h2, batch, zrows, out, idx_v, rows_v, acc):
        c = lax.axis_index("c")
        s = lax.axis_index("s")
        wid = s * 2 + c
        r0 = s * (BB // 16)
        pltpu.sync_copy(zrows.at[pl.ds(r0, BB // 16)], acc.at[pl.ds(r0, BB // 16)])
        plsc.subcore_barrier()

        for j in range(ROWS_PER_W // KP):
            base = wid * ROWS_PER_W + j * KP

            @pl.when(base + KP <= NN)
            def _():
                pltpu.sync_copy(batch.at[pl.ds(base, KP)], idx_v)
                pltpu.sync_copy(h2.at[pl.ds(base, KP)], rows_v)
                pltpu.sync_copy(rows_v, acc.at[idx_v], add=True)

        plsc.subcore_barrier()
        pltpu.sync_copy(acc.at[pl.ds(r0, BB // 16)],
                        out.at[pl.ds(c * BB + r0, BB // 16)])

    return k


_pool = _make_pool()


def _tc1_body(deg_ref, xt_ref, w1t_ref, t1t_ref, dinv_ref):
    deg = deg_ref[0] + deg_ref[1] + 1.0
    dinv = lax.rsqrt(deg)[None, :]
    h = jnp.dot(w1t_ref[...], xt_ref[...], preferred_element_type=jnp.float32)
    t1t_ref[...] = h * dinv
    dinv_ref[...] = dinv


def _tc2_body(acct_ref, t1t_ref, dinv_ref, b1_ref, w2t_ref, t2t_ref):
    dinv = dinv_ref[...]
    h1 = jnp.tanh(dinv * (acct_ref[0] + acct_ref[1] + t1t_ref[...])
                  + b1_ref[...])
    t2t_ref[...] = jnp.dot(w2t_ref[...], h1,
                           preferred_element_type=jnp.float32) * dinv


def _tc3_body(acct_ref, t2t_ref, dinv_ref, b2_ref, h2t_ref):
    dinv = dinv_ref[...]
    h2t_ref[...] = jnp.tanh(dinv * (acct_ref[0] + acct_ref[1] + t2t_ref[...])
                            + b2_ref[...])


def _tc4_body(pooled_ref, add_ref, w3_ref, b3_ref, w4a_ref, w4b_ref, b4_ref,
              out_ref):
    pooled = pooled_ref[0] + pooled_ref[1]
    add_x = jnp.tanh(jnp.dot(add_ref[...], w3_ref[...],
                             preferred_element_type=jnp.float32) + b3_ref[...])
    out_ref[...] = (jnp.dot(pooled, w4a_ref[...], preferred_element_type=jnp.float32)
                    + jnp.dot(add_x, w4b_ref[...], preferred_element_type=jnp.float32)
                    + b4_ref[...])


def kernel(x, edge_index, batch, y, p, c, apf, wiener,
           W1, b1, W2, b2, W3, b3, W4, b4):
    src = edge_index[0]
    dst = edge_index[1]
    xt = jnp.pad(x, ((0, N_PAD - NN), (0, 0))).T

    z16 = jnp.zeros((N_PAD, 16), jnp.float32)
    z8 = jnp.zeros((N_PAD, 8), jnp.float32)
    z1 = jnp.zeros((N_PAD,), jnp.float32)
    zb = jnp.zeros((BB, 8), jnp.float32)
    ones = jnp.ones((10000,), jnp.float32)

    deg2 = _deg(dst, ones, z1).reshape(2, N_PAD)

    t1t, dinv = pl.pallas_call(
        _tc1_body,
        out_shape=[jax.ShapeDtypeStruct((16, N_PAD), jnp.float32),
                   jax.ShapeDtypeStruct((1, N_PAD), jnp.float32)],
    )(deg2, xt, W1.T)

    acc1 = _edge16(t1t.T, src, dst, z16)
    acc1t = jnp.transpose(acc1.reshape(2, N_PAD, 16), (0, 2, 1))

    t2t = pl.pallas_call(
        _tc2_body,
        out_shape=jax.ShapeDtypeStruct((8, N_PAD), jnp.float32),
    )(acc1t, t1t, dinv, b1[:, None], W2.T)

    acc2 = _edge8(t2t.T, src, dst, z8)
    acc2t = jnp.transpose(acc2.reshape(2, N_PAD, 8), (0, 2, 1))

    h2t = pl.pallas_call(
        _tc3_body,
        out_shape=jax.ShapeDtypeStruct((8, N_PAD), jnp.float32),
    )(acc2t, t2t, dinv, b2[:, None])

    pooled2 = _pool(h2t.T, batch, zb).reshape(2, BB, 8)

    additional = jnp.concatenate(
        [p[:, None], c[:, None], apf[:, None], wiener[:, None]], axis=1)

    out = pl.pallas_call(
        _tc4_body,
        out_shape=jax.ShapeDtypeStruct((BB, 1), jnp.float32),
    )(pooled2, additional, W3, b3, W4[:8], W4[8:], b4)

    return out

# --- scband reference (transcript-rebuilt; emitter-appended) ---
"""Pipeline reference for scband-gcn-17592186044769 (READ-ONLY COPY).

The authoritative reference and input builder live on the scoring server;
editing this copy changes nothing except your own understanding.
"""

import jax, jax.numpy as jnp
import numpy as np

N = 100000
E = 3200000
B = 1024

def gcn_conv(x, edge_index, W, b, num_nodes):
    # GCNConv: x' = D^{-1/2} (A + I) D^{-1/2} (X W) + b
    h = x @ W
    src = edge_index[0]
    dst = edge_index[1]
    loop = jnp.arange(num_nodes, dtype=src.dtype)
    src = jnp.concatenate([src, loop])
    dst = jnp.concatenate([dst, loop])
    ones = jnp.ones(src.shape[0], dtype=h.dtype)
    deg = jax.ops.segment_sum(ones, dst, num_segments=num_nodes)
    dinv = jnp.where(deg > 0, jax.lax.rsqrt(deg), 0.0)
    norm = dinv[src] * dinv[dst]
    msg = h[src] * norm[:, None]
    out = jax.ops.segment_sum(msg, dst, num_segments=num_nodes)
    return out + b


def setup_inputs(seed: int = 0) -> dict:
    key = jax.random.key(seed)
    ks = jax.random.split(key, 16)
    x = jax.random.normal(ks[0], (N, 4), dtype=jnp.float32)
    edge_index = jax.random.randint(ks[1], (2, E), 0, N, dtype=jnp.int32)
    batch = jnp.sort(jax.random.randint(ks[2], (N,), 0, B, dtype=jnp.int32))
    y = jax.random.normal(ks[3], (B,), dtype=jnp.float32)
    p = jax.random.normal(ks[4], (B,), dtype=jnp.float32)
    c = jax.random.normal(ks[5], (B,), dtype=jnp.float32)
    apf = jax.random.normal(ks[6], (B,), dtype=jnp.float32)
    wiener = jax.random.normal(ks[7], (B,), dtype=jnp.float32)
    W1 = jax.random.normal(ks[8], (4, 16), dtype=jnp.float32) * 0.5
    b1 = jnp.zeros((16,), dtype=jnp.float32)
    W2 = jax.random.normal(ks[9], (16, 8), dtype=jnp.float32) * 0.25
    b2 = jnp.zeros((8,), dtype=jnp.float32)
    W3 = jax.random.normal(ks[10], (4, 8), dtype=jnp.float32) * 0.5
    b3 = jnp.zeros((8,), dtype=jnp.float32)
    W4 = jax.random.normal(ks[11], (16, 1), dtype=jnp.float32) * 0.25
    b4 = jnp.zeros((1,), dtype=jnp.float32)
    return {"x": x, "edge_index": edge_index, "batch": batch, "y": y,
            "p": p, "c": c, "apf": apf, "wiener": wiener,
            "W1": W1, "b1": b1, "W2": W2, "b2": b2,
            "W3": W3, "b3": b3, "W4": W4, "b4": b4}


def reference(x, edge_index, batch, y, p, c, apf, wiener,
              W1, b1, W2, b2, W3, b3, W4, b4):
    # additional per-graph scalar features -> [B, 4]
    additional = jnp.concatenate([p[:, None], c[:, None], apf[:, None], wiener[:, None]], axis=1)
    h = gcn_conv(x[:, :4], edge_index, W1, b1, N)
    h = jnp.tanh(h)
    # dropout is identity in eval mode
    h = gcn_conv(h, edge_index, W2, b2, N)
    h = jnp.tanh(h)
    add_x = jnp.tanh(additional @ W3 + b3)
    pooled = jax.ops.segment_sum(h, batch, num_segments=B)
    out = jnp.concatenate([pooled, add_x], axis=1) @ W4 + b4
    return out

if __name__ == "__main__":
    import jax
    _d = setup_inputs()
    print(jax.jit(kernel)(*tuple(_d.values())))

</pallas_src>

<mosaic_0001>
#map = affine_map<(d0, d1) -> (0, 0)>
#map1 = affine_map<(d0, d1) -> (0)>
module attributes {stable_mosaic.version = 14 : i64} {
  func.func @k(%arg0: i32, %arg1: i32, %arg2: memref<100352x8xf32, #tpu.memory_space<hbm>>, %arg3: memref<100000xi32, #tpu.memory_space<hbm>>, %arg4: memref<1024x8xf32, #tpu.memory_space<hbm>>, %arg5: memref<2048x8xf32, #tpu.memory_space<hbm>>, %arg6: memref<800xi32, #tpu.memory_space<vmem>>, %arg7: memref<800x8xf32, #tpu.memory_space<vmem>>, %arg8: memref<1024x8xf32, #tpu.memory_space<vmem_shared>>) attributes {dimension_semantics = [#tpu.dimension_semantics<core_parallel>, #tpu.dimension_semantics<subcore_parallel>], iteration_bounds = array<i64: 2, 16>, scalar_prefetch = 0 : i64, scratch_operands = 3 : i64, tpu.core_type = #tpu.core_type<sc_vector_subcore>, window_params = [{transform_indices = #map}, {transform_indices = #map1}, {transform_indices = #map}, {transform_indices = #map}]} {
    %mul3A = arith.constant 2 : i32
    %mul3A_0 = arith.muli %arg1, %mul3A : i32
    %add3A = arith.addi %mul3A_0, %arg0 : i32
    %mul3A_1 = arith.constant 64 : i32
    %mul3A_2 = arith.muli %arg1, %mul3A_1 : i32
    "tpu.region"() ({
      %run_scoped3A = tpu.sem_alloc : memref<!tpu.dma_semaphore, #tpu.memory_space<semaphore_mem>>
      %dma_start3A = arith.constant 0 : i32
      %dma_start3A_48 = tpu.memref_slice %arg8[%mul3A_2, %dma_start3A] : memref<1024x8xf32, #tpu.memory_space<vmem_shared>> -> memref<64x8xf32, #tpu.memory_space<vmem_shared>>
      %dma_start3A_49 = arith.constant 0 : i32
      %dma_start3A_50 = tpu.memref_slice %arg4[%mul3A_2, %dma_start3A_49] : memref<1024x8xf32, #tpu.memory_space<hbm>> -> memref<64x8xf32, #tpu.memory_space<hbm>>
      tpu.enqueue_dma source(%dma_start3A_50 : memref<64x8xf32, #tpu.memory_space<hbm>>) target(%dma_start3A_48 : memref<64x8xf32, #tpu.memory_space<vmem_shared>>) target_semaphore(%run_scoped3A : memref<!tpu.dma_semaphore, #tpu.memory_space<semaphore_mem>>)
      %dma_wait3A = arith.constant 0 : i32
      %dma_wait3A_51 = tpu.memref_slice %arg8[%mul3A_2, %dma_wait3A] : memref<1024x8xf32, #tpu.memory_space<vmem_shared>> -> memref<64x8xf32, #tpu.memory_space<vmem_shared>>
      %dma_wait3A_52 = arith.constant 0 : i32
      %dma_wait3A_53 = tpu.memref_slice %arg4[%mul3A_2, %dma_wait3A_52] : memref<1024x8xf32, #tpu.memory_space<hbm>> -> memref<64x8xf32, #tpu.memory_space<hbm>>
      tpu.wait_dma2 semaphore(%run_scoped3A : memref<!tpu.dma_semaphore, #tpu.memory_space<semaphore_mem>>) src(%dma_wait3A_53 : memref<64x8xf32, #tpu.memory_space<hbm>>) dst(%dma_wait3A_51 : memref<64x8xf32, #tpu.memory_space<vmem_shared>>)
      tpu.yield
    }) : () -> ()
    %barrier3A = arith.constant 0 : index
    tpu.barrier barrier_id(%barrier3A)
    %mul3A_3 = arith.constant 3200 : i32
    %mul3A_4 = arith.muli %add3A, %mul3A_3 : i32
    %add3A_5 = arith.constant 0 : i32
    %add3A_6 = arith.addi %mul3A_4, %add3A_5 : i32
    %add3A_7 = arith.constant 800 : i32
    %add3A_8 = arith.addi %add3A_6, %add3A_7 : i32
    %le3A = arith.constant 100000 : i32
    %le3A_9 = arith.cmpi sle, %add3A_8, %le3A : i32
    %convert_element_type3A = arith.extui %le3A_9 : i1 to i32
    %cond3A = arith.constant 0 : i32
    %cond3A_10 = arith.cmpi ne, %convert_element_type3A, %cond3A : i32
    scf.if %cond3A_10 {
      "tpu.region"() ({
        %run_scoped3A = tpu.sem_alloc : memref<!tpu.dma_semaphore, #tpu.memory_space<semaphore_mem>>
        %dma_start3A = tpu.memref_slice %arg3[%add3A_6] : memref<100000xi32, #tpu.memory_space<hbm>> -> memref<800xi32, #tpu.memory_space<hbm>>
        %dma_start3A_48 = tpu.memref_slice %arg3[%add3A_6] : memref<100000xi32, #tpu.memory_space<hbm>> -> memref<800xi32, #tpu.memory_space<hbm>>
        tpu.enqueue_dma source(%dma_start3A_48 : memref<800xi32, #tpu.memory_space<hbm>>) target(%arg6 : memref<800xi32, #tpu.memory_space<vmem>>) target_semaphore(%run_scoped3A : memref<!tpu.dma_semaphore, #tpu.memory_space<semaphore_mem>>)
        %dma_wait3A = tpu.memref_slice %arg3[%add3A_6] : memref<100000xi32, #tpu.memory_space<hbm>> -> memref<800xi32, #tpu.memory_space<hbm>>
        %dma_wait3A_49 = tpu.memref_slice %arg3[%add3A_6] : memref<100000xi32, #tpu.memory_space<hbm>> -> memref<800xi32, #tpu.memory_space<hbm>>
        tpu.wait_dma2 semaphore(%run_scoped3A : memref<!tpu.dma_semaphore, #tpu.memory_space<semaphore_mem>>) src(%dma_wait3A_49 : memref<800xi32, #tpu.memory_space<hbm>>) dst(%arg6 : memref<800xi32, #tpu.memory_space<vmem>>)
        tpu.yield
      }) : () -> ()
      "tpu.region"() ({
        %run_scoped3A = tpu.sem_alloc : memref<!tpu.dma_semaphore, #tpu.memory_space<semaphore_mem>>
        %dma_start3A = arith.constant 0 : i32
        %dma_start3A_48 = tpu.memref_slice %arg2[%add3A_6, %dma_start3A] : memref<100352x8xf32, #tpu.memory_space<hbm>> -> memref<800x8xf32, #tpu.memory_space<hbm>>
        %dma_start3A_49 = arith.constant 0 : i32
        %dma_start3A_50 = tpu.memref_slice %arg2[%add3A_6, %dma_start3A_49] : memref<100352x8xf32, #tpu.memory_space<hbm>> -> memref<800x8xf32, #tpu.memory_space<hbm>>
        tpu.enqueue_dma source(%dma_start3A_50 : memref<800x8xf32, #tpu.memory_space<hbm>>) target(%arg7 : memref<800x8xf32, #tpu.memory_space<vmem>>) target_semaphore(%run_scoped3A : memref<!tpu.dma_semaphore, #tpu.memory_space<semaphore_mem>>)
        %dma_wait3A = arith.constant 0 : i32
        %dma_wait3A_51 = tpu.memref_slice %arg2[%add3A_6, %dma_wait3A] : memref<100352x8xf32, #tpu.memory_space<hbm>> -> memref<800x8xf32, #tpu.memory_space<hbm>>
        %dma_wait3A_52 = arith.constant 0 : i32
        %dma_wait3A_53 = tpu.memref_slice %arg2[%add3A_6, %dma_wait3A_52] : memref<100352x8xf32, #tpu.memory_space<hbm>> -> memref<800x8xf32, #tpu.memory_space<hbm>>
        tpu.wait_dma2 semaphore(%run_scoped3A : memref<!tpu.dma_semaphore, #tpu.memory_space<semaphore_mem>>) src(%dma_wait3A_53 : memref<800x8xf32, #tpu.memory_space<hbm>>) dst(%arg7 : memref<800x8xf32, #tpu.memory_space<vmem>>)
        tpu.yield
      }) : () -> ()
      "tpu.region"() ({
        %run_scoped3A = tpu.sem_alloc : memref<!tpu.dma_semaphore, #tpu.memory_space<semaphore_mem>>
        %dma_start3A = arith.constant 0 : i32
        %dma_start3A_48 = arith.constant 0 : i32
        %dma_start3A_49 = tpu.memref_slice %arg8[%dma_start3A, %dma_start3A_48] : memref<1024x8xf32, #tpu.memory_space<vmem_shared>> -> memref<1024x8xf32, #tpu.memory_space<vmem_shared>>
        tpu.enqueue_indirect_dma source(%arg7 : memref<800x8xf32, #tpu.memory_space<vmem>>) target(%dma_start3A_49 : memref<1024x8xf32, #tpu.memory_space<vmem_shared>>) offsets(%arg6 : memref<800xi32, #tpu.memory_space<vmem>>) semaphore(%run_scoped3A : memref<!tpu.dma_semaphore, #tpu.memory_space<semaphore_mem>>) {add = true}
        %dma_wait3A = arith.constant 0 : i32
        %dma_wait3A_50 = arith.constant 0 : i32
        %dma_wait3A_51 = tpu.memref_slice %arg8[%dma_wait3A, %dma_wait3A_50] : memref<1024x8xf32, #tpu.memory_space<vmem_shared>> -> memref<1024x8xf32, #tpu.memory_space<vmem_shared>>
        tpu.wait_indirect_dma semaphore(%run_scoped3A : memref<!tpu.dma_semaphore, #tpu.memory_space<semaphore_mem>>) src(%arg7 : memref<800x8xf32, #tpu.memory_space<vmem>>) dst(%dma_wait3A_51 : memref<1024x8xf32, #tpu.memory_space<vmem_shared>>)
        tpu.yield
      }) : () -> ()
    } else {
    }
    %mul3A_11 = arith.constant 3200 : i32
    %mul3A_12 = arith.muli %add3A, %mul3A_11 : i32
    %add3A_13 = arith.constant 800 : i32
    %add3A_14 = arith.addi %mul3A_12, %add3A_13 : i32
    %add3A_15 = arith.constant 800 : i32
    %add3A_16 = arith.addi %add3A_14, %add3A_15 : i32
    %le3A_17 = arith.constant 100000 : i32
    %le3A_18 = arith.cmpi sle, %add3A_16, %le3A_17 : i32
    %convert_element_type3A_19 = arith.extui %le3A_18 : i1 to i32
    %cond3A_20 = arith.constant 0 : i32
    %cond3A_21 = arith.cmpi ne, %convert_element_type3A_19, %cond3A_20 : i32
    scf.if %cond3A_21 {
      "tpu.region"() ({
        %run_scoped3A = tpu.sem_alloc : memref<!tpu.dma_semaphore, #tpu.memory_space<semaphore_mem>>
        %dma_start3A = tpu.memref_slice %arg3[%add3A_14] : memref<100000xi32, #tpu.memory_space<hbm>> -> memref<800xi32, #tpu.memory_space<hbm>>
        %dma_start3A_48 = tpu.memref_slice %arg3[%add3A_14] : memref<100000xi32, #tpu.memory_space<hbm>> -> memref<800xi32, #tpu.memory_space<hbm>>
        tpu.enqueue_dma source(%dma_start3A_48 : memref<800xi32, #tpu.memory_space<hbm>>) target(%arg6 : memref<800xi32, #tpu.memory_space<vmem>>) target_semaphore(%run_scoped3A : memref<!tpu.dma_semaphore, #tpu.memory_space<semaphore_mem>>)
        %dma_wait3A = tpu.memref_slice %arg3[%add3A_14] : memref<100000xi32, #tpu.memory_space<hbm>> -> memref<800xi32, #tpu.memory_space<hbm>>
        %dma_wait3A_49 = tpu.memref_slice %arg3[%add3A_14] : memref<100000xi32, #tpu.memory_space<hbm>> -> memref<800xi32, #tpu.memory_space<hbm>>
        tpu.wait_dma2 semaphore(%run_scoped3A : memref<!tpu.dma_semaphore, #tpu.memory_space<semaphore_mem>>) src(%dma_wait3A_49 : memref<800xi32, #tpu.memory_space<hbm>>) dst(%arg6 : memref<800xi32, #tpu.memory_space<vmem>>)
        tpu.yield
      }) : () -> ()
      "tpu.region"() ({
        %run_scoped3A = tpu.sem_alloc : memref<!tpu.dma_semaphore, #tpu.memory_space<semaphore_mem>>
        %dma_start3A = arith.constant 0 : i32
        %dma_start3A_48 = tpu.memref_slice %arg2[%add3A_14, %dma_start3A] : memref<100352x8xf32, #tpu.memory_space<hbm>> -> memref<800x8xf32, #tpu.memory_space<hbm>>
        %dma_start3A_49 = arith.constant 0 : i32
        %dma_start3A_50 = tpu.memref_slice %arg2[%add3A_14, %dma_start3A_49] : memref<100352x8xf32, #tpu.memory_space<hbm>> -> memref<800x8xf32, #tpu.memory_space<hbm>>
        tpu.enqueue_dma source(%dma_start3A_50 : memref<800x8xf32, #tpu.memory_space<hbm>>) target(%arg7 : memref<800x8xf32, #tpu.memory_space<vmem>>) target_semaphore(%run_scoped3A : memref<!tpu.dma_semaphore, #tpu.memory_space<semaphore_mem>>)
        %dma_wait3A = arith.constant 0 : i32
        %dma_wait3A_51 = tpu.memref_slice %arg2[%add3A_14, %dma_wait3A] : memref<100352x8xf32, #tpu.memory_space<hbm>> -> memref<800x8xf32, #tpu.memory_space<hbm>>
        %dma_wait3A_52 = arith.constant 0 : i32
        %dma_wait3A_53 = tpu.memref_slice %arg2[%add3A_14, %dma_wait3A_52] : memref<100352x8xf32, #tpu.memory_space<hbm>> -> memref<800x8xf32, #tpu.memory_space<hbm>>
        tpu.wait_dma2 semaphore(%run_scoped3A : memref<!tpu.dma_semaphore, #tpu.memory_space<semaphore_mem>>) src(%dma_wait3A_53 : memref<800x8xf32, #tpu.memory_space<hbm>>) dst(%arg7 : memref<800x8xf32, #tpu.memory_space<vmem>>)
        tpu.yield
      }) : () -> ()
      "tpu.region"() ({
        %run_scoped3A = tpu.sem_alloc : memref<!tpu.dma_semaphore, #tpu.memory_space<semaphore_mem>>
        %dma_start3A = arith.constant 0 : i32
        %dma_start3A_48 = arith.constant 0 : i32
        %dma_start3A_49 = tpu.memref_slice %arg8[%dma_start3A, %dma_start3A_48] : memref<1024x8xf32, #tpu.memory_space<vmem_shared>> -> memref<1024x8xf32, #tpu.memory_space<vmem_shared>>
        tpu.enqueue_indirect_dma source(%arg7 : memref<800x8xf32, #tpu.memory_space<vmem>>) target(%dma_start3A_49 : memref<1024x8xf32, #tpu.memory_space<vmem_shared>>) offsets(%arg6 : memref<800xi32, #tpu.memory_space<vmem>>) semaphore(%run_scoped3A : memref<!tpu.dma_semaphore, #tpu.memory_space<semaphore_mem>>) {add = true}
        %dma_wait3A = arith.constant 0 : i32
        %dma_wait3A_50 = arith.constant 0 : i32
        %dma_wait3A_51 = tpu.memref_slice %arg8[%dma_wait3A, %dma_wait3A_50] : memref<1024x8xf32, #tpu.memory_space<vmem_shared>> -> memref<1024x8xf32, #tpu.memory_space<vmem_shared>>
        tpu.wait_indirect_dma semaphore(%run_scoped3A : memref<!tpu.dma_semaphore, #tpu.memory_space<semaphore_mem>>) src(%arg7 : memref<800x8xf32, #tpu.memory_space<vmem>>) dst(%dma_wait3A_51 : memref<1024x8xf32, #tpu.memory_space<vmem_shared>>)
        tpu.yield
      }) : () -> ()
    } else {
    }
    %mul3A_22 = arith.constant 3200 : i32
    %mul3A_23 = arith.muli %add3A, %mul3A_22 : i32
    %add3A_24 = arith.constant 1600 : i32
    %add3A_25 = arith.addi %mul3A_23, %add3A_24 : i32
    %add3A_26 = arith.constant 800 : i32
    %add3A_27 = arith.addi %add3A_25, %add3A_26 : i32
    %le3A_28 = arith.constant 100000 : i32
    %le3A_29 = arith.cmpi sle, %add3A_27, %le3A_28 : i32
    %convert_element_type3A_30 = arith.extui %le3A_29 : i1 to i32
    %cond3A_31 = arith.constant 0 : i32
    %cond3A_32 = arith.cmpi ne, %convert_element_type3A_30, %cond3A_31 : i32
    scf.if %cond3A_32 {
      "tpu.region"() ({
        %run_scoped3A = tpu.sem_alloc : memref<!tpu.dma_semaphore, #tpu.memory_space<semaphore_mem>>
        %dma_start3A = tpu.memref_slice %arg3[%add3A_25] : memref<100000xi32, #tpu.memory_space<hbm>> -> memref<800xi32, #tpu.memory_space<hbm>>
        %dma_start3A_48 = tpu.memref_slice %arg3[%add3A_25] : memref<100000xi32, #tpu.memory_space<hbm>> -> memref<800xi32, #tpu.memory_space<hbm>>
        tpu.enqueue_dma source(%dma_start3A_48 : memref<800xi32, #tpu.memory_space<hbm>>) target(%arg6 : memref<800xi32, #tpu.memory_space<vmem>>) target_semaphore(%run_scoped3A : memref<!tpu.dma_semaphore, #tpu.memory_space<semaphore_mem>>)
        %dma_wait3A = tpu.memref_slice %arg3[%add3A_25] : memref<100000xi32, #tpu.memory_space<hbm>> -> memref<800xi32, #tpu.memory_space<hbm>>
        %dma_wait3A_49 = tpu.memref_slice %arg3[%add3A_25] : memref<100000xi32, #tpu.memory_space<hbm>> -> memref<800xi32, #tpu.memory_space<hbm>>
        tpu.wait_dma2 semaphore(%run_scoped3A : memref<!tpu.dma_semaphore, #tpu.memory_space<semaphore_mem>>) src(%dma_wait3A_49 : memref<800xi32, #tpu.memory_space<hbm>>) dst(%arg6 : memref<800xi32, #tpu.memory_space<vmem>>)
        tpu.yield
      }) : () -> ()
      "tpu.region"() ({
        %run_scoped3A = tpu.sem_alloc : memref<!tpu.dma_semaphore, #tpu.memory_space<semaphore_mem>>
        %dma_start3A = arith.constant 0 : i32
        %dma_start3A_48 = tpu.memref_slice %arg2[%add3A_25, %dma_start3A] : memref<100352x8xf32, #tpu.memory_space<hbm>> -> memref<800x8xf32, #tpu.memory_space<hbm>>
        %dma_start3A_49 = arith.constant 0 : i32
        %dma_start3A_50 = tpu.memref_slice %arg2[%add3A_25, %dma_start3A_49] : memref<100352x8xf32, #tpu.memory_space<hbm>> -> memref<800x8xf32, #tpu.memory_space<hbm>>
        tpu.enqueue_dma source(%dma_start3A_50 : memref<800x8xf32, #tpu.memory_space<hbm>>) target(%arg7 : memref<800x8xf32, #tpu.memory_space<vmem>>) target_semaphore(%run_scoped3A : memref<!tpu.dma_semaphore, #tpu.memory_space<semaphore_mem>>)
        %dma_wait3A = arith.constant 0 : i32
        %dma_wait3A_51 = tpu.memref_slice %arg2[%add3A_25, %dma_wait3A] : memref<100352x8xf32, #tpu.memory_space<hbm>> -> memref<800x8xf32, #tpu.memory_space<hbm>>
        %dma_wait3A_52 = arith.constant 0 : i32
        %dma_wait3A_53 = tpu.memref_slice %arg2[%add3A_25, %dma_wait3A_52] : memref<100352x8xf32, #tpu.memory_space<hbm>> -> memref<800x8xf32, #tpu.memory_space<hbm>>
        tpu.wait_dma2 semaphore(%run_scoped3A : memref<!tpu.dma_semaphore, #tpu.memory_space<semaphore_mem>>) src(%dma_wait3A_53 : memref<800x8xf32, #tpu.memory_space<hbm>>) dst(%arg7 : memref<800x8xf32, #tpu.memory_space<vmem>>)
        tpu.yield
      }) : () -> ()
      "tpu.region"() ({
        %run_scoped3A = tpu.sem_alloc : memref<!tpu.dma_semaphore, #tpu.memory_space<semaphore_mem>>
        %dma_start3A = arith.constant 0 : i32
        %dma_start3A_48 = arith.constant 0 : i32
        %dma_start3A_49 = tpu.memref_slice %arg8[%dma_start3A, %dma_start3A_48] : memref<1024x8xf32, #tpu.memory_space<vmem_shared>> -> memref<1024x8xf32, #tpu.memory_space<vmem_shared>>
        tpu.enqueue_indirect_dma source(%arg7 : memref<800x8xf32, #tpu.memory_space<vmem>>) target(%dma_start3A_49 : memref<1024x8xf32, #tpu.memory_space<vmem_shared>>) offsets(%arg6 : memref<800xi32, #tpu.memory_space<vmem>>) semaphore(%run_scoped3A : memref<!tpu.dma_semaphore, #tpu.memory_space<semaphore_mem>>) {add = true}
        %dma_wait3A = arith.constant 0 : i32
        %dma_wait3A_50 = arith.constant 0 : i32
        %dma_wait3A_51 = tpu.memref_slice %arg8[%dma_wait3A, %dma_wait3A_50] : memref<1024x8xf32, #tpu.memory_space<vmem_shared>> -> memref<1024x8xf32, #tpu.memory_space<vmem_shared>>
        tpu.wait_indirect_dma semaphore(%run_scoped3A : memref<!tpu.dma_semaphore, #tpu.memory_space<semaphore_mem>>) src(%arg7 : memref<800x8xf32, #tpu.memory_space<vmem>>) dst(%dma_wait3A_51 : memref<1024x8xf32, #tpu.memory_space<vmem_shared>>)
        tpu.yield
      }) : () -> ()
    } else {
    }
    %mul3A_33 = arith.constant 3200 : i32
    %mul3A_34 = arith.muli %add3A, %mul3A_33 : i32
    %add3A_35 = arith.constant 2400 : i32
    %add3A_36 = arith.addi %mul3A_34, %add3A_35 : i32
    %add3A_37 = arith.constant 800 : i32
    %add3A_38 = arith.addi %add3A_36, %add3A_37 : i32
    %le3A_39 = arith.constant 100000 : i32
    %le3A_40 = arith.cmpi sle, %add3A_38, %le3A_39 : i32
    %convert_element_type3A_41 = arith.extui %le3A_40 : i1 to i32
    %cond3A_42 = arith.constant 0 : i32
    %cond3A_43 = arith.cmpi ne, %convert_element_type3A_41, %cond3A_42 : i32
    scf.if %cond3A_43 {
      "tpu.region"() ({
        %run_scoped3A = tpu.sem_alloc : memref<!tpu.dma_semaphore, #tpu.memory_space<semaphore_mem>>
        %dma_start3A = tpu.memref_slice %arg3[%add3A_36] : memref<100000xi32, #tpu.memory_space<hbm>> -> memref<800xi32, #tpu.memory_space<hbm>>
        %dma_start3A_48 = tpu.memref_slice %arg3[%add3A_36] : memref<100000xi32, #tpu.memory_space<hbm>> -> memref<800xi32, #tpu.memory_space<hbm>>
        tpu.enqueue_dma source(%dma_start3A_48 : memref<800xi32, #tpu.memory_space<hbm>>) target(%arg6 : memref<800xi32, #tpu.memory_space<vmem>>) target_semaphore(%run_scoped3A : memref<!tpu.dma_semaphore, #tpu.memory_space<semaphore_mem>>)
        %dma_wait3A = tpu.memref_slice %arg3[%add3A_36] : memref<100000xi32, #tpu.memory_space<hbm>> -> memref<800xi32, #tpu.memory_space<hbm>>
        %dma_wait3A_49 = tpu.memref_slice %arg3[%add3A_36] : memref<100000xi32, #tpu.memory_space<hbm>> -> memref<800xi32, #tpu.memory_space<hbm>>
        tpu.wait_dma2 semaphore(%run_scoped3A : memref<!tpu.dma_semaphore, #tpu.memory_space<semaphore_mem>>) src(%dma_wait3A_49 : memref<800xi32, #tpu.memory_space<hbm>>) dst(%arg6 : memref<800xi32, #tpu.memory_space<vmem>>)
        tpu.yield
      }) : () -> ()
      "tpu.region"() ({
        %run_scoped3A = tpu.sem_alloc : memref<!tpu.dma_semaphore, #tpu.memory_space<semaphore_mem>>
        %dma_start3A = arith.constant 0 : i32
        %dma_start3A_48 = tpu.memref_slice %arg2[%add3A_36, %dma_start3A] : memref<100352x8xf32, #tpu.memory_space<hbm>> -> memref<800x8xf32, #tpu.memory_space<hbm>>
        %dma_start3A_49 = arith.constant 0 : i32
        %dma_start3A_50 = tpu.memref_slice %arg2[%add3A_36, %dma_start3A_49] : memref<100352x8xf32, #tpu.memory_space<hbm>> -> memref<800x8xf32, #tpu.memory_space<hbm>>
        tpu.enqueue_dma source(%dma_start3A_50 : memref<800x8xf32, #tpu.memory_space<hbm>>) target(%arg7 : memref<800x8xf32, #tpu.memory_space<vmem>>) target_semaphore(%run_scoped3A : memref<!tpu.dma_semaphore, #tpu.memory_space<semaphore_mem>>)
        %dma_wait3A = arith.constant 0 : i32
        %dma_wait3A_51 = tpu.memref_slice %arg2[%add3A_36, %dma_wait3A] : memref<100352x8xf32, #tpu.memory_space<hbm>> -> memref<800x8xf32, #tpu.memory_space<hbm>>
        %dma_wait3A_52 = arith.constant 0 : i32
        %dma_wait3A_53 = tpu.memref_slice %arg2[%add3A_36, %dma_wait3A_52] : memref<100352x8xf32, #tpu.memory_space<hbm>> -> memref<800x8xf32, #tpu.memory_space<hbm>>
        tpu.wait_dma2 semaphore(%run_scoped3A : memref<!tpu.dma_semaphore, #tpu.memory_space<semaphore_mem>>) src(%dma_wait3A_53 : memref<800x8xf32, #tpu.memory_space<hbm>>) dst(%arg7 : memref<800x8xf32, #tpu.memory_space<vmem>>)
        tpu.yield
      }) : () -> ()
      "tpu.region"() ({
        %run_scoped3A = tpu.sem_alloc : memref<!tpu.dma_semaphore, #tpu.memory_space<semaphore_mem>>
        %dma_start3A = arith.constant 0 : i32
        %dma_start3A_48 = arith.constant 0 : i32
        %dma_start3A_49 = tpu.memref_slice %arg8[%dma_start3A, %dma_start3A_48] : memref<1024x8xf32, #tpu.memory_space<vmem_shared>> -> memref<1024x8xf32, #tpu.memory_space<vmem_shared>>
        tpu.enqueue_indirect_dma source(%arg7 : memref<800x8xf32, #tpu.memory_space<vmem>>) target(%dma_start3A_49 : memref<1024x8xf32, #tpu.memory_space<vmem_shared>>) offsets(%arg6 : memref<800xi32, #tpu.memory_space<vmem>>) semaphore(%run_scoped3A : memref<!tpu.dma_semaphore, #tpu.memory_space<semaphore_mem>>) {add = true}
        %dma_wait3A = arith.constant 0 : i32
        %dma_wait3A_50 = arith.constant 0 : i32
        %dma_wait3A_51 = tpu.memref_slice %arg8[%dma_wait3A, %dma_wait3A_50] : memref<1024x8xf32, #tpu.memory_space<vmem_shared>> -> memref<1024x8xf32, #tpu.memory_space<vmem_shared>>
        tpu.wait_indirect_dma semaphore(%run_scoped3A : memref<!tpu.dma_semaphore, #tpu.memory_space<semaphore_mem>>) src(%arg7 : memref<800x8xf32, #tpu.memory_space<vmem>>) dst(%dma_wait3A_51 : memref<1024x8xf32, #tpu.memory_space<vmem_shared>>)
        tpu.yield
      }) : () -> ()
    } else {
    }
    %barrier3A_44 = arith.constant 0 : index
    tpu.barrier barrier_id(%barrier3A_44)
    %mul3A_45 = arith.constant 1024 : i32
    %mul3A_46 = arith.muli %arg0, %mul3A_45 : i32
    %add3A_47 = arith.addi %mul3A_46, %mul3A_2 : i32
    "tpu.region"() ({
      %run_scoped3A = tpu.sem_alloc : memref<!tpu.dma_semaphore, #tpu.memory_space<semaphore_mem>>
      %dma_start3A = arith.constant 0 : i32
      %dma_start3A_48 = tpu.memref_slice %arg5[%add3A_47, %dma_start3A] : memref<2048x8xf32, #tpu.memory_space<hbm>> -> memref<64x8xf32, #tpu.memory_space<hbm>>
      %dma_start3A_49 = arith.constant 0 : i32
      %dma_start3A_50 = tpu.memref_slice %arg8[%mul3A_2, %dma_start3A_49] : memref<1024x8xf32, #tpu.memory_space<vmem_shared>> -> memref<64x8xf32, #tpu.memory_space<vmem_shared>>
      tpu.enqueue_dma source(%dma_start3A_50 : memref<64x8xf32, #tpu.memory_space<vmem_shared>>) target(%dma_start3A_48 : memref<64x8xf32, #tpu.memory_space<hbm>>) target_semaphore(%run_scoped3A : memref<!tpu.dma_semaphore, #tpu.memory_space<semaphore_mem>>)
      %dma_wait3A = arith.constant 0 : i32
      %dma_wait3A_51 = tpu.memref_slice %arg5[%add3A_47, %dma_wait3A] : memref<2048x8xf32, #tpu.memory_space<hbm>> -> memref<64x8xf32, #tpu.memory_space<hbm>>
      %dma_wait3A_52 = arith.constant 0 : i32
      %dma_wait3A_53 = tpu.memref_slice %arg8[%mul3A_2, %dma_wait3A_52] : memref<1024x8xf32, #tpu.memory_space<vmem_shared>> -> memref<64x8xf32, #tpu.memory_space<vmem_shared>>
      tpu.wait_dma2 semaphore(%run_scoped3A : memref<!tpu.dma_semaphore, #tpu.memory_space<semaphore_mem>>) src(%dma_wait3A_53 : memref<64x8xf32, #tpu.memory_space<vmem_shared>>) dst(%dma_wait3A_51 : memref<64x8xf32, #tpu.memory_space<hbm>>)
      tpu.yield
    }) : () -> ()
    return
  }
}

#map = affine_map<(d0, d1) -> (0, 0)>
#map1 = affine_map<(d0, d1) -> (0)>
module attributes {stable_mosaic.version = 14 : i64} {
  func.func @k(%arg0: i32, %arg1: i32, %arg2: memref<100352x16xf32, #tpu.memory_space<hbm>>, %arg3: memref<3200000xi32, #tpu.memory_space<hbm>>, %arg4: memref<3200000xi32, #tpu.memory_space<hbm>>, %arg5: memref<100352x16xf32, #tpu.memory_space<hbm>>, %arg6: memref<200704x16xf32, #tpu.memory_space<hbm>>, %arg7: memref<800xi32, #tpu.memory_space<vmem>>, %arg8: memref<800xi32, #tpu.memory_space<vmem>>, %arg9: memref<800xi32, #tpu.memory_space<vmem>>, %arg10: memref<800xi32, #tpu.memory_space<vmem>>, %arg11: memref<800x16xf32, #tpu.memory_space<vmem>>, %arg12: memref<800x16xf32, #tpu.memory_space<vmem>>, %arg13: memref<100352x16xf32, #tpu.memory_space<vmem_shared>>, %arg14: memref<!tpu.dma_semaphore, #tpu.memory_space<semaphore_mem>>, %arg15: memref<!tpu.dma_semaphore, #tpu.memory_space<semaphore_mem>>, %arg16: memref<!tpu.dma_semaphore, #tpu.memory_space<semaphore_mem>>, %arg17: memref<!tpu.dma_semaphore, #tpu.memory_space<semaphore_mem>>) attributes {dimension_semantics = [#tpu.dimension_semantics<core_parallel>, #tpu.dimension_semantics<subcore_parallel>], iteration_bounds = array<i64: 2, 16>, scalar_prefetch = 0 : i64, scratch_operands = 11 : i64, tpu.core_type = #tpu.core_type<sc_vector_subcore>, window_params = [{transform_indices = #map}, {transform_indices = #map1}, {transform_indices = #map1}, {transform_indices = #map}, {transform_indices = #map}]} {
    %mul3A = arith.constant 2 : i32
    %mul3A_0 = arith.muli %arg1, %mul3A : i32
    %add3A = arith.addi %mul3A_0, %arg0 : i32
    %mul3A_1 = arith.constant 6272 : i32
    %mul3A_2 = arith.muli %arg1, %mul3A_1 : i32
    "tpu.region"() ({
      %run_scoped3A = tpu.sem_alloc : memref<!tpu.dma_semaphore, #tpu.memory_space<semaphore_mem>>
      %dma_start3A_39 = arith.constant 0 : i32
      %dma_start3A_40 = tpu.memref_slice %arg13[%mul3A_2, %dma_start3A_39] : memref<100352x16xf32, #tpu.memory_space<vmem_shared>> -> memref<6272x16xf32, #tpu.memory_space<vmem_shared>>
      %dma_start3A_41 = arith.constant 0 : i32
      %dma_start3A_42 = tpu.memref_slice %arg5[%mul3A_2, %dma_start3A_41] : memref<100352x16xf32, #tpu.memory_space<hbm>> -> memref<6272x16xf32, #tpu.memory_space<hbm>>
      tpu.enqueue_dma source(%dma_start3A_42 : memref<6272x16xf32, #tpu.memory_space<hbm>>) target(%dma_start3A_40 : memref<6272x16xf32, #tpu.memory_space<vmem_shared>>) target_semaphore(%run_scoped3A : memref<!tpu.dma_semaphore, #tpu.memory_space<semaphore_mem>>)
      %dma_wait3A_43 = arith.constant 0 : i32
      %dma_wait3A_44 = tpu.memref_slice %arg13[%mul3A_2, %dma_wait3A_43] : memref<100352x16xf32, #tpu.memory_space<vmem_shared>> -> memref<6272x16xf32, #tpu.memory_space<vmem_shared>>
      %dma_wait3A_45 = arith.constant 0 : i32
      %dma_wait3A_46 = tpu.memref_slice %arg5[%mul3A_2, %dma_wait3A_45] : memref<100352x16xf32, #tpu.memory_space<hbm>> -> memref<6272x16xf32, #tpu.memory_space<hbm>>
      tpu.wait_dma2 semaphore(%run_scoped3A : memref<!tpu.dma_semaphore, #tpu.memory_space<semaphore_mem>>) src(%dma_wait3A_46 : memref<6272x16xf32, #tpu.memory_space<hbm>>) dst(%dma_wait3A_44 : memref<6272x16xf32, #tpu.memory_space<vmem_shared>>)
      tpu.yield
    }) : () -> ()
    %barrier3A = arith.constant 0 : index
    tpu.barrier barrier_id(%barrier3A)
    %mul3A_3 = arith.constant 100000 : i32
    %mul3A_4 = arith.muli %add3A, %mul3A_3 : i32
    %add3A_5 = arith.constant 0 : i32
    %add3A_6 = arith.addi %mul3A_4, %add3A_5 : i32
    %dma_start3A = tpu.memref_slice %arg3[%add3A_6] : memref<3200000xi32, #tpu.memory_space<hbm>> -> memref<800xi32, #tpu.memory_space<hbm>>
    %dma_start3A_7 = tpu.memref_slice %arg3[%add3A_6] : memref<3200000xi32, #tpu.memory_space<hbm>> -> memref<800xi32, #tpu.memory_space<hbm>>
    tpu.enqueue_dma source(%dma_start3A_7 : memref<800xi32, #tpu.memory_space<hbm>>) target(%arg7 : memref<800xi32, #tpu.memory_space<vmem>>) target_semaphore(%arg14 : memref<!tpu.dma_semaphore, #tpu.memory_space<semaphore_mem>>)
    %add3A_8 = arith.constant 0 : i32
    %add3A_9 = arith.addi %mul3A_4, %add3A_8 : i32
    %dma_start3A_10 = tpu.memref_slice %arg4[%add3A_9] : memref<3200000xi32, #tpu.memory_space<hbm>> -> memref<800xi32, #tpu.memory_space<hbm>>
    %dma_start3A_11 = tpu.memref_slice %arg4[%add3A_9] : memref<3200000xi32, #tpu.memory_space<hbm>> -> memref<800xi32, #tpu.memory_space<hbm>>
    tpu.enqueue_dma source(%dma_start3A_11 : memref<800xi32, #tpu.memory_space<hbm>>) target(%arg8 : memref<800xi32, #tpu.memory_space<vmem>>) target_semaphore(%arg14 : memref<!tpu.dma_semaphore, #tpu.memory_space<semaphore_mem>>)
    %add3A_12 = arith.constant 800 : i32
    %add3A_13 = arith.addi %mul3A_4, %add3A_12 : i32
    %dma_start3A_14 = tpu.memref_slice %arg3[%add3A_13] : memref<3200000xi32, #tpu.memory_space<hbm>> -> memref<800xi32, #tpu.memory_space<hbm>>
    %dma_start3A_15 = tpu.memref_slice %arg3[%add3A_13] : memref<3200000xi32, #tpu.memory_space<hbm>> -> memref<800xi32, #tpu.memory_space<hbm>>
    tpu.enqueue_dma source(%dma_start3A_15 : memref<800xi32, #tpu.memory_space<hbm>>) target(%arg9 : memref<800xi32, #tpu.memory_space<vmem>>) target_semaphore(%arg15 : memref<!tpu.dma_semaphore, #tpu.memory_space<semaphore_mem>>)
    %add3A_16 = arith.constant 800 : i32
    %add3A_17 = arith.addi %mul3A_4, %add3A_16 : i32
    %dma_start3A_18 = tpu.memref_slice %arg4[%add3A_17] : memref<3200000xi32, #tpu.memory_space<hbm>> -> memref<800xi32, #tpu.memory_space<hbm>>
    %dma_start3A_19 = tpu.memref_slice %arg4[%add3A_17] : memref<3200000xi32, #tpu.memory_space<hbm>> -> memref<800xi32, #tpu.memory_space<hbm>>
    tpu.enqueue_dma source(%dma_start3A_19 : memref<800xi32, #tpu.memory_space<hbm>>) target(%arg10 : memref<800xi32, #tpu.memory_space<vmem>>) target_semaphore(%arg15 : memref<!tpu.dma_semaphore, #tpu.memory_space<semaphore_mem>>)
    %dma_wait3A = arith.constant 0 : i32
    %dma_wait3A_20 = tpu.memref_slice %arg3[%dma_wait3A] : memref<3200000xi32, #tpu.memory_space<hbm>> -> memref<800xi32, #tpu.memory_space<hbm>>
    %dma_wait3A_21 = arith.constant 0 : i32
    %dma_wait3A_22 = tpu.memref_slice %arg3[%dma_wait3A_21] : memref<3200000xi32, #tpu.memory_space<hbm>> -> memref<800xi32, #tpu.memory_space<hbm>>
    tpu.wait_dma2 semaphore(%arg14 : memref<!tpu.dma_semaphore, #tpu.memory_space<semaphore_mem>>) src(%dma_wait3A_22 : memref<800xi32, #tpu.memory_space<hbm>>) dst(%arg7 : memref<800xi32, #tpu.memory_space<vmem>>)
    %dma_wait3A_23 = arith.constant 0 : i32
    %dma_wait3A_24 = tpu.memref_slice %arg4[%dma_wait3A_23] : memref<3200000xi32, #tpu.memory_space<hbm>> -> memref<800xi32, #tpu.memory_space<hbm>>
    %dma_wait3A_25 = arith.constant 0 : i32
    %dma_wait3A_26 = tpu.memref_slice %arg4[%dma_wait3A_25] : memref<3200000xi32, #tpu.memory_space<hbm>> -> memref<800xi32, #tpu.memory_space<hbm>>
    tpu.wait_dma2 semaphore(%arg14 : memref<!tpu.dma_semaphore, #tpu.memory_space<semaphore_mem>>) src(%dma_wait3A_26 : memref<800xi32, #tpu.memory_space<hbm>>) dst(%arg8 : memref<800xi32, #tpu.memory_space<vmem>>)
    %dma_start3A_27 = arith.constant 0 : i32
    %dma_start3A_28 = arith.constant 0 : i32
    %dma_start3A_29 = tpu.memref_slice %arg2[%dma_start3A_27, %dma_start3A_28] : memref<100352x16xf32, #tpu.memory_space<hbm>> -> memref<100352x16xf32, #tpu.memory_space<hbm>>
    tpu.enqueue_indirect_dma source(%dma_start3A_29 : memref<100352x16xf32, #tpu.memory_space<hbm>>) target(%arg11 : memref<800x16xf32, #tpu.memory_space<vmem>>) offsets(%arg7 : memref<800xi32, #tpu.memory_space<vmem>>) semaphore(%arg16 : memref<!tpu.dma_semaphore, #tpu.memory_space<semaphore_mem>>)
    %scan3A = arith.constant 0 : i32
    %scan3A_30 = arith.constant 0 : i32
    %scan3A_31 = arith.constant 63 : i32
    %scan3A_32 = arith.addi %scan3A_30, %scan3A_31 : i32
    %scan3A_33 = arith.constant 1 : i32
    scf.for %scan3A_39 = %scan3A_30 to %scan3A_32 step %scan3A_33  : i32 {
      %mul3A_40 = arith.constant 2 : i32
      %mul3A_41 = arith.muli %mul3A_40, %scan3A_39 : i32
      %add3A_42 = arith.constant 1 : i32
      %add3A_43 = arith.addi %mul3A_41, %add3A_42 : i32
      %lt3A = arith.constant 125 : i32
      %lt3A_44 = arith.cmpi slt, %add3A_43, %lt3A : i32
      %convert_element_type3A = arith.extui %lt3A_44 : i1 to i32
      %cond3A = arith.constant 0 : i32
      %cond3A_45 = arith.cmpi ne, %convert_element_type3A, %cond3A : i32
      scf.if %cond3A_45 {
        %dma_wait3A_70 = arith.constant 0 : i32
        %dma_wait3A_71 = tpu.memref_slice %arg3[%dma_wait3A_70] : memref<3200000xi32, #tpu.memory_space<hbm>> -> memref<800xi32, #tpu.memory_space<hbm>>
        %dma_wait3A_72 = arith.constant 0 : i32
        %dma_wait3A_73 = tpu.memref_slice %arg3[%dma_wait3A_72] : memref<3200000xi32, #tpu.memory_space<hbm>> -> memref<800xi32, #tpu.memory_space<hbm>>
        tpu.wait_dma2 semaphore(%arg15 : memref<!tpu.dma_semaphore, #tpu.memory_space<semaphore_mem>>) src(%dma_wait3A_73 : memref<800xi32, #tpu.memory_space<hbm>>) dst(%arg9 : memref<800xi32, #tpu.memory_space<vmem>>)
        %dma_wait3A_74 = arith.constant 0 : i32
        %dma_wait3A_75 = tpu.memref_slice %arg4[%dma_wait3A_74] : memref<3200000xi32, #tpu.memory_space<hbm>> -> memref<800xi32, #tpu.memory_space<hbm>>
        %dma_wait3A_76 = arith.constant 0 : i32
        %dma_wait3A_77 = tpu.memref_slice %arg4[%dma_wait3A_76] : memref<3200000xi32, #tpu.memory_space<hbm>> -> memref<800xi32, #tpu.memory_space<hbm>>
        tpu.wait_dma2 semaphore(%arg15 : memref<!tpu.dma_semaphore, #tpu.memory_space<semaphore_mem>>) src(%dma_wait3A_77 : memref<800xi32, #tpu.memory_space<hbm>>) dst(%arg10 : memref<800xi32, #tpu.memory_space<vmem>>)
      } else {
      }
      %dma_wait3A_46 = arith.constant 0 : i32
      %dma_wait3A_47 = arith.constant 0 : i32
      %dma_wait3A_48 = tpu.memref_slice %arg2[%dma_wait3A_46, %dma_wait3A_47] : memref<100352x16xf32, #tpu.memory_space<hbm>> -> memref<100352x16xf32, #tpu.memory_space<hbm>>
      tpu.wait_indirect_dma semaphore(%arg16 : memref<!tpu.dma_semaphore, #tpu.memory_space<semaphore_mem>>) src(%dma_wait3A_48 : memref<100352x16xf32, #tpu.memory_space<hbm>>) dst(%arg11 : memref<800x16xf32, #tpu.memory_space<vmem>>)
      %add3A_49 = arith.constant 1 : i32
      %add3A_50 = arith.addi %mul3A_41, %add3A_49 : i32
      %lt3A_51 = arith.constant 125 : i32
      %lt3A_52 = arith.cmpi slt, %add3A_50, %lt3A_51 : i32
      %convert_element_type3A_53 = arith.extui %lt3A_52 : i1 to i32
      %cond3A_54 = arith.constant 0 : i32
      %cond3A_55 = arith.cmpi ne, %convert_element_type3A_53, %cond3A_54 : i32
      scf.if %cond3A_55 {
        %dma_start3A_70 = arith.constant 0 : i32
        %dma_start3A_71 = arith.constant 0 : i32
        %dma_start3A_72 = tpu.memref_slice %arg2[%dma_start3A_70, %dma_start3A_71] : memref<100352x16xf32, #tpu.memory_space<hbm>> -> memref<100352x16xf32, #tpu.memory_space<hbm>>
        tpu.enqueue_indirect_dma source(%dma_start3A_72 : memref<100352x16xf32, #tpu.memory_space<hbm>>) target(%arg12 : memref<800x16xf32, #tpu.memory_space<vmem>>) offsets(%arg9 : memref<800xi32, #tpu.memory_space<vmem>>) semaphore(%arg17 : memref<!tpu.dma_semaphore, #tpu.memory_space<semaphore_mem>>)
      } else {
      }
      "tpu.region"() ({
        %run_scoped3A = tpu.sem_alloc : memref<!tpu.dma_semaphore, #tpu.memory_space<semaphore_mem>>
        %dma_start3A_70 = arith.constant 0 : i32
        %dma_start3A_71 = arith.constant 0 : i32
        %dma_start3A_72 = tpu.memref_slice %arg13[%dma_start3A_70, %dma_start3A_71] : memref<100352x16xf32, #tpu.memory_space<vmem_shared>> -> memref<100352x16xf32, #tpu.memory_space<vmem_shared>>
        tpu.enqueue_indirect_dma source(%arg11 : memref<800x16xf32, #tpu.memory_space<vmem>>) target(%dma_start3A_72 : memref<100352x16xf32, #tpu.memory_space<vmem_shared>>) offsets(%arg8 : memref<800xi32, #tpu.memory_space<vmem>>) semaphore(%run_scoped3A : memref<!tpu.dma_semaphore, #tpu.memory_space<semaphore_mem>>) {add = true}
        %dma_wait3A_73 = arith.constant 0 : i32
        %dma_wait3A_74 = arith.constant 0 : i32
        %dma_wait3A_75 = tpu.memref_slice %arg13[%dma_wait3A_73, %dma_wait3A_74] : memref<100352x16xf32, #tpu.memory_space<vmem_shared>> -> memref<100352x16xf32, #tpu.memory_space<vmem_shared>>
        tpu.wait_indirect_dma semaphore(%run_scoped3A : memref<!tpu.dma_semaphore, #tpu.memory_space<semaphore_mem>>) src(%arg11 : memref<800x16xf32, #tpu.memory_space<vmem>>) dst(%dma_wait3A_75 : memref<100352x16xf32, #tpu.memory_space<vmem_shared>>)
        tpu.yield
      }) : () -> ()
      %add3A_56 = arith.constant 2 : i32
      %add3A_57 = arith.addi %mul3A_41, %add3A_56 : i32
      %lt3A_58 = arith.constant 125 : i32
      %lt3A_59 = arith.cmpi slt, %add3A_57, %lt3A_58 : i32
      %convert_element_type3A_60 = arith.extui %lt3A_59 : i1 to i32
      %cond3A_61 = arith.constant 0 : i32
      %cond3A_62 = arith.cmpi ne, %convert_element_type3A_60, %cond3A_61 : i32
      scf.if %cond3A_62 {
        %add3A_70 = arith.constant 2 : i32
        %add3A_71 = arith.addi %mul3A_41, %add3A_70 : i32
        %mul3A_72 = arith.constant 800 : i32
        %mul3A_73 = arith.muli %add3A_71, %mul3A_72 : i32
        %add3A_74 = arith.addi %mul3A_4, %mul3A_73 : i32
        %dma_start3A_75 = tpu.memref_slice %arg3[%add3A_74] : memref<3200000xi32, #tpu.memory_space<hbm>> -> memref<800xi32, #tpu.memory_space<hbm>>
        %dma_start3A_76 = tpu.memref_slice %arg3[%add3A_74] : memref<3200000xi32, #tpu.memory_space<hbm>> -> memref<800xi32, #tpu.memory_space<hbm>>
        tpu.enqueue_dma source(%dma_start3A_76 : memref<800xi32, #tpu.memory_space<hbm>>) target(%arg7 : memref<800xi32, #tpu.memory_space<vmem>>) target_semaphore(%arg14 : memref<!tpu.dma_semaphore, #tpu.memory_space<semaphore_mem>>)
        %mul3A_77 = arith.constant 800 : i32
        %mul3A_78 = arith.muli %add3A_71, %mul3A_77 : i32
        %add3A_79 = arith.addi %mul3A_4, %mul3A_78 : i32
        %dma_start3A_80 = tpu.memref_slice %arg4[%add3A_79] : memref<3200000xi32, #tpu.memory_space<hbm>> -> memref<800xi32, #tpu.memory_space<hbm>>
        %dma_start3A_81 = tpu.memref_slice %arg4[%add3A_79] : memref<3200000xi32, #tpu.memory_space<hbm>> -> memref<800xi32, #tpu.memory_space<hbm>>
        tpu.enqueue_dma source(%dma_start3A_81 : memref<800xi32, #tpu.memory_space<hbm>>) target(%arg8 : memref<800xi32, #tpu.memory_space<vmem>>) target_semaphore(%arg14 : memref<!tpu.dma_semaphore, #tpu.memory_space<semaphore_mem>>)
      } else {
      }
      %add3A_63 = arith.constant 1 : i32
      %add3A_64 = arith.addi %mul3A_41, %add3A_63 : i32
      %lt3A_65 = arith.constant 125 : i32
      %lt3A_66 = arith.cmpi slt, %add3A_64, %lt3A_65 : i32
      %convert_element_type3A_67 = arith.extui %lt3A_66 : i1 to i32
      %cond3A_68 = arith.constant 0 : i32
      %cond3A_69 = arith.cmpi ne, %convert_element_type3A_67, %cond3A_68 : i32
      scf.if %cond3A_69 {
        %add3A_70 = arith.constant 2 : i32
        %add3A_71 = arith.addi %mul3A_41, %add3A_70 : i32
        %lt3A_72 = arith.constant 125 : i32
        %lt3A_73 = arith.cmpi slt, %add3A_71, %lt3A_72 : i32
        %convert_element_type3A_74 = arith.extui %lt3A_73 : i1 to i32
        %cond3A_75 = arith.constant 0 : i32
        %cond3A_76 = arith.cmpi ne, %convert_element_type3A_74, %cond3A_75 : i32
        scf.if %cond3A_76 {
          %dma_wait3A_94 = arith.constant 0 : i32
          %dma_wait3A_95 = tpu.memref_slice %arg3[%dma_wait3A_94] : memref<3200000xi32, #tpu.memory_space<hbm>> -> memref<800xi32, #tpu.memory_space<hbm>>
          %dma_wait3A_96 = arith.constant 0 : i32
          %dma_wait3A_97 = tpu.memref_slice %arg3[%dma_wait3A_96] : memref<3200000xi32, #tpu.memory_space<hbm>> -> memref<800xi32, #tpu.memory_space<hbm>>
          tpu.wait_dma2 semaphore(%arg14 : memref<!tpu.dma_semaphore, #tpu.memory_space<semaphore_mem>>) src(%dma_wait3A_97 : memref<800xi32, #tpu.memory_space<hbm>>) dst(%arg7 : memref<800xi32, #tpu.memory_space<vmem>>)
          %dma_wait3A_98 = arith.constant 0 : i32
          %dma_wait3A_99 = tpu.memref_slice %arg4[%dma_wait3A_98] : memref<3200000xi32, #tpu.memory_space<hbm>> -> memref<800xi32, #tpu.memory_space<hbm>>
          %dma_wait3A_100 = arith.constant 0 : i32
          %dma_wait3A_101 = tpu.memref_slice %arg4[%dma_wait3A_100] : memref<3200000xi32, #tpu.memory_space<hbm>> -> memref<800xi32, #tpu.memory_space<hbm>>
          tpu.wait_dma2 semaphore(%arg14 : memref<!tpu.dma_semaphore, #tpu.memory_space<semaphore_mem>>) src(%dma_wait3A_101 : memref<800xi32, #tpu.memory_space<hbm>>) dst(%arg8 : memref<800xi32, #tpu.memory_space<vmem>>)
        } else {
        }
        %dma_wait3A_77 = arith.constant 0 : i32
        %dma_wait3A_78 = arith.constant 0 : i32
        %dma_wait3A_79 = tpu.memref_slice %arg2[%dma_wait3A_77, %dma_wait3A_78] : memref<100352x16xf32, #tpu.memory_space<hbm>> -> memref<100352x16xf32, #tpu.memory_space<hbm>>
        tpu.wait_indirect_dma semaphore(%arg17 : memref<!tpu.dma_semaphore, #tpu.memory_space<semaphore_mem>>) src(%dma_wait3A_79 : memref<100352x16xf32, #tpu.memory_space<hbm>>) dst(%arg12 : memref<800x16xf32, #tpu.memory_space<vmem>>)
        %add3A_80 = arith.constant 2 : i32
        %add3A_81 = arith.addi %mul3A_41, %add3A_80 : i32
        %lt3A_82 = arith.constant 125 : i32
        %lt3A_83 = arith.cmpi slt, %add3A_81, %lt3A_82 : i32
        %convert_element_type3A_84 = arith.extui %lt3A_83 : i1 to i32
        %cond3A_85 = arith.constant 0 : i32
        %cond3A_86 = arith.cmpi ne, %convert_element_type3A_84, %cond3A_85 : i32
        scf.if %cond3A_86 {
          %dma_start3A_94 = arith.constant 0 : i32
          %dma_start3A_95 = arith.constant 0 : i32
          %dma_start3A_96 = tpu.memref_slice %arg2[%dma_start3A_94, %dma_start3A_95] : memref<100352x16xf32, #tpu.memory_space<hbm>> -> memref<100352x16xf32, #tpu.memory_space<hbm>>
          tpu.enqueue_indirect_dma source(%dma_start3A_96 : memref<100352x16xf32, #tpu.memory_space<hbm>>) target(%arg11 : memref<800x16xf32, #tpu.memory_space<vmem>>) offsets(%arg7 : memref<800xi32, #tpu.memory_space<vmem>>) semaphore(%arg16 : memref<!tpu.dma_semaphore, #tpu.memory_space<semaphore_mem>>)
        } else {
        }
        "tpu.region"() ({
          %run_scoped3A = tpu.sem_alloc : memref<!tpu.dma_semaphore, #tpu.memory_space<semaphore_mem>>
          %dma_start3A_94 = arith.constant 0 : i32
          %dma_start3A_95 = arith.constant 0 : i32
          %dma_start3A_96 = tpu.memref_slice %arg13[%dma_start3A_94, %dma_start3A_95] : memref<100352x16xf32, #tpu.memory_space<vmem_shared>> -> memref<100352x16xf32, #tpu.memory_space<vmem_shared>>
          tpu.enqueue_indirect_dma source(%arg12 : memref<800x16xf32, #tpu.memory_space<vmem>>) target(%dma_start3A_96 : memref<100352x16xf32, #tpu.memory_space<vmem_shared>>) offsets(%arg10 : memref<800xi32, #tpu.memory_space<vmem>>) semaphore(%run_scoped3A : memref<!tpu.dma_semaphore, #tpu.memory_space<semaphore_mem>>) {add = true}
          %dma_wait3A_97 = arith.constant 0 : i32
          %dma_wait3A_98 = arith.constant 0 : i32
          %dma_wait3A_99 = tpu.memref_slice %arg13[%dma_wait3A_97, %dma_wait3A_98] : memref<100352x16xf32, #tpu.memory_space<vmem_shared>> -> memref<100352x16xf32, #tpu.memory_space<vmem_shared>>
          tpu.wait_indirect_dma semaphore(%run_scoped3A : memref<!tpu.dma_semaphore, #tpu.memory_space<semaphore_mem>>) src(%arg12 : memref<800x16xf32, #tpu.memory_space<vmem>>) dst(%dma_wait3A_99 : memref<100352x16xf32, #tpu.memory_space<vmem_shared>>)
          tpu.yield
        }) : () -> ()
        %add3A_87 = arith.constant 3 : i32
        %add3A_88 = arith.addi %mul3A_41, %add3A_87 : i32
        %lt3A_89 = arith.constant 125 : i32
        %lt3A_90 = arith.cmpi slt, %add3A_88, %lt3A_89 : i32
        %convert_element_type3A_91 = arith.extui %lt3A_90 : i1 to i32
        %cond3A_92 = arith.constant 0 : i32
        %cond3A_93 = arith.cmpi ne, %convert_element_type3A_91, %cond3A_92 : i32
        scf.if %cond3A_93 {
          %add3A_94 = arith.constant 3 : i32
          %add3A_95 = arith.addi %mul3A_41, %add3A_94 : i32
          %mul3A_96 = arith.constant 800 : i32
          %mul3A_97 = arith.muli %add3A_95, %mul3A_96 : i32
          %add3A_98 = arith.addi %mul3A_4, %mul3A_97 : i32
          %dma_start3A_99 = tpu.memref_slice %arg3[%add3A_98] : memref<3200000xi32, #tpu.memory_space<hbm>> -> memref<800xi32, #tpu.memory_space<hbm>>
          %dma_start3A_100 = tpu.memref_slice %arg3[%add3A_98] : memref<3200000xi32, #tpu.memory_space<hbm>> -> memref<800xi32, #tpu.memory_space<hbm>>
          tpu.enqueue_dma source(%dma_start3A_100 : memref<800xi32, #tpu.memory_space<hbm>>) target(%arg9 : memref<800xi32, #tpu.memory_space<vmem>>) target_semaphore(%arg15 : memref<!tpu.dma_semaphore, #tpu.memory_space<semaphore_mem>>)
          %mul3A_101 = arith.constant 800 : i32
          %mul3A_102 = arith.muli %add3A_95, %mul3A_101 : i32
          %add3A_103 = arith.addi %mul3A_4, %mul3A_102 : i32
          %dma_start3A_104 = tpu.memref_slice %arg4[%add3A_103] : memref<3200000xi32, #tpu.memory_space<hbm>> -> memref<800xi32, #tpu.memory_space<hbm>>
          %dma_start3A_105 = tpu.memref_slice %arg4[%add3A_103] : memref<3200000xi32, #tpu.memory_space<hbm>> -> memref<800xi32, #tpu.memory_space<hbm>>
          tpu.enqueue_dma source(%dma_start3A_105 : memref<800xi32, #tpu.memory_space<hbm>>) target(%arg10 : memref<800xi32, #tpu.memory_space<vmem>>) target_semaphore(%arg15 : memref<!tpu.dma_semaphore, #tpu.memory_space<semaphore_mem>>)
        } else {
        }
      } else {
      }
    }
    %scan3A_34 = arith.constant 63 : i32
    %barrier3A_35 = arith.constant 0 : index
    tpu.barrier barrier_id(%barrier3A_35)
    %mul3A_36 = arith.constant 100352 : i32
    %mul3A_37 = arith.muli %arg0, %mul3A_36 : i32
    %add3A_38 = arith.addi %mul3A_37, %mul3A_2 : i32
    "tpu.region"() ({
      %run_scoped3A = tpu.sem_alloc : memref<!tpu.dma_semaphore, #tpu.memory_space<semaphore_mem>>
      %dma_start3A_39 = arith.constant 0 : i32
      %dma_start3A_40 = tpu.memref_slice %arg6[%add3A_38, %dma_start3A_39] : memref<200704x16xf32, #tpu.memory_space<hbm>> -> memref<6272x16xf32, #tpu.memory_space<hbm>>
      %dma_start3A_41 = arith.constant 0 : i32
      %dma_start3A_42 = tpu.memref_slice %arg13[%mul3A_2, %dma_start3A_41] : memref<100352x16xf32, #tpu.memory_space<vmem_shared>> -> memref<6272x16xf32, #tpu.memory_space<vmem_shared>>
      tpu.enqueue_dma source(%dma_start3A_42 : memref<6272x16xf32, #tpu.memory_space<vmem_shared>>) target(%dma_start3A_40 : memref<6272x16xf32, #tpu.memory_space<hbm>>) target_semaphore(%run_scoped3A : memref<!tpu.dma_semaphore, #tpu.memory_space<semaphore_mem>>)
      %dma_wait3A_43 = arith.constant 0 : i32
      %dma_wait3A_44 = tpu.memref_slice %arg6[%add3A_38, %dma_wait3A_43] : memref<200704x16xf32, #tpu.memory_space<hbm>> -> memref<6272x16xf32, #tpu.memory_space<hbm>>
      %dma_wait3A_45 = arith.constant 0 : i32
      %dma_wait3A_46 = tpu.memref_slice %arg13[%mul3A_2, %dma_wait3A_45] : memref<100352x16xf32, #tpu.memory_space<vmem_shared>> -> memref<6272x16xf32, #tpu.memory_space<vmem_shared>>
      tpu.wait_dma2 semaphore(%run_scoped3A : memref<!tpu.dma_semaphore, #tpu.memory_space<semaphore_mem>>) src(%dma_wait3A_46 : memref<6272x16xf32, #tpu.memory_space<vmem_shared>>) dst(%dma_wait3A_44 : memref<6272x16xf32, #tpu.memory_space<hbm>>)
      tpu.yield
    }) : () -> ()
    return
  }
}

#map = affine_map<(d0, d1) -> (0, 0)>
#map1 = affine_map<(d0, d1) -> (0)>
module attributes {stable_mosaic.version = 14 : i64} {
  func.func @k(%arg0: i32, %arg1: i32, %arg2: memref<100352x8xf32, #tpu.memory_space<hbm>>, %arg3: memref<3200000xi32, #tpu.memory_space<hbm>>, %arg4: memref<3200000xi32, #tpu.memory_space<hbm>>, %arg5: memref<100352x8xf32, #tpu.memory_space<hbm>>, %arg6: memref<200704x8xf32, #tpu.memory_space<hbm>>, %arg7: memref<2000xi32, #tpu.memory_space<vmem>>, %arg8: memref<2000xi32, #tpu.memory_space<vmem>>, %arg9: memref<2000xi32, #tpu.memory_space<vmem>>, %arg10: memref<2000xi32, #tpu.memory_space<vmem>>, %arg11: memref<2000x8xf32, #tpu.memory_space<vmem>>, %arg12: memref<2000x8xf32, #tpu.memory_space<vmem>>, %arg13: memref<100352x8xf32, #tpu.memory_space<vmem_shared>>, %arg14: memref<!tpu.dma_semaphore, #tpu.memory_space<semaphore_mem>>, %arg15: memref<!tpu.dma_semaphore, #tpu.memory_space<semaphore_mem>>, %arg16: memref<!tpu.dma_semaphore, #tpu.memory_space<semaphore_mem>>, %arg17: memref<!tpu.dma_semaphore, #tpu.memory_space<semaphore_mem>>) attributes {dimension_semantics = [#tpu.dimension_semantics<core_parallel>, #tpu.dimension_semantics<subcore_parallel>], iteration_bounds = array<i64: 2, 16>, scalar_prefetch = 0 : i64, scratch_operands = 11 : i64, tpu.core_type = #tpu.core_type<sc_vector_subcore>, window_params = [{transform_indices = #map}, {transform_indices = #map1}, {transform_indices = #map1}, {transform_indices = #map}, {transform_indices = #map}]} {
    %mul3A = arith.constant 2 : i32
    %mul3A_0 = arith.muli %arg1, %mul3A : i32
    %add3A = arith.addi %mul3A_0, %arg0 : i32
    %mul3A_1 = arith.constant 6272 : i32
    %mul3A_2 = arith.muli %arg1, %mul3A_1 : i32
    "tpu.region"() ({
      %run_scoped3A = tpu.sem_alloc : memref<!tpu.dma_semaphore, #tpu.memory_space<semaphore_mem>>
      %dma_start3A_39 = arith.constant 0 : i32
      %dma_start3A_40 = tpu.memref_slice %arg13[%mul3A_2, %dma_start3A_39] : memref<100352x8xf32, #tpu.memory_space<vmem_shared>> -> memref<6272x8xf32, #tpu.memory_space<vmem_shared>>
      %dma_start3A_41 = arith.constant 0 : i32
      %dma_start3A_42 = tpu.memref_slice %arg5[%mul3A_2, %dma_start3A_41] : memref<100352x8xf32, #tpu.memory_space<hbm>> -> memref<6272x8xf32, #tpu.memory_space<hbm>>
      tpu.enqueue_dma source(%dma_start3A_42 : memref<6272x8xf32, #tpu.memory_space<hbm>>) target(%dma_start3A_40 : memref<6272x8xf32, #tpu.memory_space<vmem_shared>>) target_semaphore(%run_scoped3A : memref<!tpu.dma_semaphore, #tpu.memory_space<semaphore_mem>>)
      %dma_wait3A_43 = arith.constant 0 : i32
      %dma_wait3A_44 = tpu.memref_slice %arg13[%mul3A_2, %dma_wait3A_43] : memref<100352x8xf32, #tpu.memory_space<vmem_shared>> -> memref<6272x8xf32, #tpu.memory_space<vmem_shared>>
      %dma_wait3A_45 = arith.constant 0 : i32
      %dma_wait3A_46 = tpu.memref_slice %arg5[%mul3A_2, %dma_wait3A_45] : memref<100352x8xf32, #tpu.memory_space<hbm>> -> memref<6272x8xf32, #tpu.memory_space<hbm>>
      tpu.wait_dma2 semaphore(%run_scoped3A : memref<!tpu.dma_semaphore, #tpu.memory_space<semaphore_mem>>) src(%dma_wait3A_46 : memref<6272x8xf32, #tpu.memory_space<hbm>>) dst(%dma_wait3A_44 : memref<6272x8xf32, #tpu.memory_space<vmem_shared>>)
      tpu.yield
    }) : () -> ()
    %barrier3A = arith.constant 0 : index
    tpu.barrier barrier_id(%barrier3A)
    %mul3A_3 = arith.constant 100000 : i32
    %mul3A_4 = arith.muli %add3A, %mul3A_3 : i32
    %add3A_5 = arith.constant 0 : i32
    %add3A_6 = arith.addi %mul3A_4, %add3A_5 : i32
    %dma_start3A = tpu.memref_slice %arg3[%add3A_6] : memref<3200000xi32, #tpu.memory_space<hbm>> -> memref<2000xi32, #tpu.memory_space<hbm>>
    %dma_start3A_7 = tpu.memref_slice %arg3[%add3A_6] : memref<3200000xi32, #tpu.memory_space<hbm>> -> memref<2000xi32, #tpu.memory_space<hbm>>
    tpu.enqueue_dma source(%dma_start3A_7 : memref<2000xi32, #tpu.memory_space<hbm>>) target(%arg7 : memref<2000xi32, #tpu.memory_space<vmem>>) target_semaphore(%arg14 : memref<!tpu.dma_semaphore, #tpu.memory_space<semaphore_mem>>)
    %add3A_8 = arith.constant 0 : i32
    %add3A_9 = arith.addi %mul3A_4, %add3A_8 : i32
    %dma_start3A_10 = tpu.memref_slice %arg4[%add3A_9] : memref<3200000xi32, #tpu.memory_space<hbm>> -> memref<2000xi32, #tpu.memory_space<hbm>>
    %dma_start3A_11 = tpu.memref_slice %arg4[%add3A_9] : memref<3200000xi32, #tpu.memory_space<hbm>> -> memref<2000xi32, #tpu.memory_space<hbm>>
    tpu.enqueue_dma source(%dma_start3A_11 : memref<2000xi32, #tpu.memory_space<hbm>>) target(%arg8 : memref<2000xi32, #tpu.memory_space<vmem>>) target_semaphore(%arg14 : memref<!tpu.dma_semaphore, #tpu.memory_space<semaphore_mem>>)
    %add3A_12 = arith.constant 2000 : i32
    %add3A_13 = arith.addi %mul3A_4, %add3A_12 : i32
    %dma_start3A_14 = tpu.memref_slice %arg3[%add3A_13] : memref<3200000xi32, #tpu.memory_space<hbm>> -> memref<2000xi32, #tpu.memory_space<hbm>>
    %dma_start3A_15 = tpu.memref_slice %arg3[%add3A_13] : memref<3200000xi32, #tpu.memory_space<hbm>> -> memref<2000xi32, #tpu.memory_space<hbm>>
    tpu.enqueue_dma source(%dma_start3A_15 : memref<2000xi32, #tpu.memory_space<hbm>>) target(%arg9 : memref<2000xi32, #tpu.memory_space<vmem>>) target_semaphore(%arg15 : memref<!tpu.dma_semaphore, #tpu.memory_space<semaphore_mem>>)
    %add3A_16 = arith.constant 2000 : i32
    %add3A_17 = arith.addi %mul3A_4, %add3A_16 : i32
    %dma_start3A_18 = tpu.memref_slice %arg4[%add3A_17] : memref<3200000xi32, #tpu.memory_space<hbm>> -> memref<2000xi32, #tpu.memory_space<hbm>>
    %dma_start3A_19 = tpu.memref_slice %arg4[%add3A_17] : memref<3200000xi32, #tpu.memory_space<hbm>> -> memref<2000xi32, #tpu.memory_space<hbm>>
    tpu.enqueue_dma source(%dma_start3A_19 : memref<2000xi32, #tpu.memory_space<hbm>>) target(%arg10 : memref<2000xi32, #tpu.memory_space<vmem>>) target_semaphore(%arg15 : memref<!tpu.dma_semaphore, #tpu.memory_space<semaphore_mem>>)
    %dma_wait3A = arith.constant 0 : i32
    %dma_wait3A_20 = tpu.memref_slice %arg3[%dma_wait3A] : memref<3200000xi32, #tpu.memory_space<hbm>> -> memref<2000xi32, #tpu.memory_space<hbm>>
    %dma_wait3A_21 = arith.constant 0 : i32
    %dma_wait3A_22 = tpu.memref_slice %arg3[%dma_wait3A_21] : memref<3200000xi32, #tpu.memory_space<hbm>> -> memref<2000xi32, #tpu.memory_space<hbm>>
    tpu.wait_dma2 semaphore(%arg14 : memref<!tpu.dma_semaphore, #tpu.memory_space<semaphore_mem>>) src(%dma_wait3A_22 : memref<2000xi32, #tpu.memory_space<hbm>>) dst(%arg7 : memref<2000xi32, #tpu.memory_space<vmem>>)
    %dma_wait3A_23 = arith.constant 0 : i32
    %dma_wait3A_24 = tpu.memref_slice %arg4[%dma_wait3A_23] : memref<3200000xi32, #tpu.memory_space<hbm>> -> memref<2000xi32, #tpu.memory_space<hbm>>
    %dma_wait3A_25 = arith.constant 0 : i32
    %dma_wait3A_26 = tpu.memref_slice %arg4[%dma_wait3A_25] : memref<3200000xi32, #tpu.memory_space<hbm>> -> memref<2000xi32, #tpu.memory_space<hbm>>
    tpu.wait_dma2 semaphore(%arg14 : memref<!tpu.dma_semaphore, #tpu.memory_space<semaphore_mem>>) src(%dma_wait3A_26 : memref<2000xi32, #tpu.memory_space<hbm>>) dst(%arg8 : memref<2000xi32, #tpu.memory_space<vmem>>)
    %dma_start3A_27 = arith.constant 0 : i32
    %dma_start3A_28 = arith.constant 0 : i32
    %dma_start3A_29 = tpu.memref_slice %arg2[%dma_start3A_27, %dma_start3A_28] : memref<100352x8xf32, #tpu.memory_space<hbm>> -> memref<100352x8xf32, #tpu.memory_space<hbm>>
    tpu.enqueue_indirect_dma source(%dma_start3A_29 : memref<100352x8xf32, #tpu.memory_space<hbm>>) target(%arg11 : memref<2000x8xf32, #tpu.memory_space<vmem>>) offsets(%arg7 : memref<2000xi32, #tpu.memory_space<vmem>>) semaphore(%arg16 : memref<!tpu.dma_semaphore, #tpu.memory_space<semaphore_mem>>)
    %scan3A = arith.constant 0 : i32
    %scan3A_30 = arith.constant 0 : i32
    %scan3A_31 = arith.constant 25 : i32
    %scan3A_32 = arith.addi %scan3A_30, %scan3A_31 : i32
    %scan3A_33 = arith.constant 1 : i32
    scf.for %scan3A_39 = %scan3A_30 to %scan3A_32 step %scan3A_33  : i32 {
      %mul3A_40 = arith.constant 2 : i32
      %mul3A_41 = arith.muli %mul3A_40, %scan3A_39 : i32
      %add3A_42 = arith.constant 1 : i32
      %add3A_43 = arith.addi %mul3A_41, %add3A_42 : i32
      %lt3A = arith.constant 50 : i32
      %lt3A_44 = arith.cmpi slt, %add3A_43, %lt3A : i32
      %convert_element_type3A = arith.extui %lt3A_44 : i1 to i32
      %cond3A = arith.constant 0 : i32
      %cond3A_45 = arith.cmpi ne, %convert_element_type3A, %cond3A : i32
      scf.if %cond3A_45 {
        %dma_wait3A_70 = arith.constant 0 : i32
        %dma_wait3A_71 = tpu.memref_slice %arg3[%dma_wait3A_70] : memref<3200000xi32, #tpu.memory_space<hbm>> -> memref<2000xi32, #tpu.memory_space<hbm>>
        %dma_wait3A_72 = arith.constant 0 : i32
        %dma_wait3A_73 = tpu.memref_slice %arg3[%dma_wait3A_72] : memref<3200000xi32, #tpu.memory_space<hbm>> -> memref<2000xi32, #tpu.memory_space<hbm>>
        tpu.wait_dma2 semaphore(%arg15 : memref<!tpu.dma_semaphore, #tpu.memory_space<semaphore_mem>>) src(%dma_wait3A_73 : memref<2000xi32, #tpu.memory_space<hbm>>) dst(%arg9 : memref<2000xi32, #tpu.memory_space<vmem>>)
        %dma_wait3A_74 = arith.constant 0 : i32
        %dma_wait3A_75 = tpu.memref_slice %arg4[%dma_wait3A_74] : memref<3200000xi32, #tpu.memory_space<hbm>> -> memref<2000xi32, #tpu.memory_space<hbm>>
        %dma_wait3A_76 = arith.constant 0 : i32
        %dma_wait3A_77 = tpu.memref_slice %arg4[%dma_wait3A_76] : memref<3200000xi32, #tpu.memory_space<hbm>> -> memref<2000xi32, #tpu.memory_space<hbm>>
        tpu.wait_dma2 semaphore(%arg15 : memref<!tpu.dma_semaphore, #tpu.memory_space<semaphore_mem>>) src(%dma_wait3A_77 : memref<2000xi32, #tpu.memory_space<hbm>>) dst(%arg10 : memref<2000xi32, #tpu.memory_space<vmem>>)
      } else {
      }
      %dma_wait3A_46 = arith.constant 0 : i32
      %dma_wait3A_47 = arith.constant 0 : i32
      %dma_wait3A_48 = tpu.memref_slice %arg2[%dma_wait3A_46, %dma_wait3A_47] : memref<100352x8xf32, #tpu.memory_space<hbm>> -> memref<100352x8xf32, #tpu.memory_space<hbm>>
      tpu.wait_indirect_dma semaphore(%arg16 : memref<!tpu.dma_semaphore, #tpu.memory_space<semaphore_mem>>) src(%dma_wait3A_48 : memref<100352x8xf32, #tpu.memory_space<hbm>>) dst(%arg11 : memref<2000x8xf32, #tpu.memory_space<vmem>>)
      %add3A_49 = arith.constant 1 : i32
      %add3A_50 = arith.addi %mul3A_41, %add3A_49 : i32
      %lt3A_51 = arith.constant 50 : i32
      %lt3A_52 = arith.cmpi slt, %add3A_50, %lt3A_51 : i32
      %convert_element_type3A_53 = arith.extui %lt3A_52 : i1 to i32
      %cond3A_54 = arith.constant 0 : i32
      %cond3A_55 = arith.cmpi ne, %convert_element_type3A_53, %cond3A_54 : i32
      scf.if %cond3A_55 {
        %dma_start3A_70 = arith.constant 0 : i32
        %dma_start3A_71 = arith.constant 0 : i32
        %dma_start3A_72 = tpu.memref_slice %arg2[%dma_start3A_70, %dma_start3A_71] : memref<100352x8xf32, #tpu.memory_space<hbm>> -> memref<100352x8xf32, #tpu.memory_space<hbm>>
        tpu.enqueue_indirect_dma source(%dma_start3A_72 : memref<100352x8xf32, #tpu.memory_space<hbm>>) target(%arg12 : memref<2000x8xf32, #tpu.memory_space<vmem>>) offsets(%arg9 : memref<2000xi32, #tpu.memory_space<vmem>>) semaphore(%arg17 : memref<!tpu.dma_semaphore, #tpu.memory_space<semaphore_mem>>)
      } else {
      }
      "tpu.region"() ({
        %run_scoped3A = tpu.sem_alloc : memref<!tpu.dma_semaphore, #tpu.memory_space<semaphore_mem>>
        %dma_start3A_70 = arith.constant 0 : i32
        %dma_start3A_71 = arith.constant 0 : i32
        %dma_start3A_72 = tpu.memref_slice %arg13[%dma_start3A_70, %dma_start3A_71] : memref<100352x8xf32, #tpu.memory_space<vmem_shared>> -> memref<100352x8xf32, #tpu.memory_space<vmem_shared>>
        tpu.enqueue_indirect_dma source(%arg11 : memref<2000x8xf32, #tpu.memory_space<vmem>>) target(%dma_start3A_72 : memref<100352x8xf32, #tpu.memory_space<vmem_shared>>) offsets(%arg8 : memref<2000xi32, #tpu.memory_space<vmem>>) semaphore(%run_scoped3A : memref<!tpu.dma_semaphore, #tpu.memory_space<semaphore_mem>>) {add = true}
        %dma_wait3A_73 = arith.constant 0 : i32
        %dma_wait3A_74 = arith.constant 0 : i32
        %dma_wait3A_75 = tpu.memref_slice %arg13[%dma_wait3A_73, %dma_wait3A_74] : memref<100352x8xf32, #tpu.memory_space<vmem_shared>> -> memref<100352x8xf32, #tpu.memory_space<vmem_shared>>
        tpu.wait_indirect_dma semaphore(%run_scoped3A : memref<!tpu.dma_semaphore, #tpu.memory_space<semaphore_mem>>) src(%arg11 : memref<2000x8xf32, #tpu.memory_space<vmem>>) dst(%dma_wait3A_75 : memref<100352x8xf32, #tpu.memory_space<vmem_shared>>)
        tpu.yield
      }) : () -> ()
      %add3A_56 = arith.constant 2 : i32
      %add3A_57 = arith.addi %mul3A_41, %add3A_56 : i32
      %lt3A_58 = arith.constant 50 : i32
      %lt3A_59 = arith.cmpi slt, %add3A_57, %lt3A_58 : i32
      %convert_element_type3A_60 = arith.extui %lt3A_59 : i1 to i32
      %cond3A_61 = arith.constant 0 : i32
      %cond3A_62 = arith.cmpi ne, %convert_element_type3A_60, %cond3A_61 : i32
      scf.if %cond3A_62 {
        %add3A_70 = arith.constant 2 : i32
        %add3A_71 = arith.addi %mul3A_41, %add3A_70 : i32
        %mul3A_72 = arith.constant 2000 : i32
        %mul3A_73 = arith.muli %add3A_71, %mul3A_72 : i32
        %add3A_74 = arith.addi %mul3A_4, %mul3A_73 : i32
        %dma_start3A_75 = tpu.memref_slice %arg3[%add3A_74] : memref<3200000xi32, #tpu.memory_space<hbm>> -> memref<2000xi32, #tpu.memory_space<hbm>>
        %dma_start3A_76 = tpu.memref_slice %arg3[%add3A_74] : memref<3200000xi32, #tpu.memory_space<hbm>> -> memref<2000xi32, #tpu.memory_space<hbm>>
        tpu.enqueue_dma source(%dma_start3A_76 : memref<2000xi32, #tpu.memory_space<hbm>>) target(%arg7 : memref<2000xi32, #tpu.memory_space<vmem>>) target_semaphore(%arg14 : memref<!tpu.dma_semaphore, #tpu.memory_space<semaphore_mem>>)
        %mul3A_77 = arith.constant 2000 : i32
        %mul3A_78 = arith.muli %add3A_71, %mul3A_77 : i32
        %add3A_79 = arith.addi %mul3A_4, %mul3A_78 : i32
        %dma_start3A_80 = tpu.memref_slice %arg4[%add3A_79] : memref<3200000xi32, #tpu.memory_space<hbm>> -> memref<2000xi32, #tpu.memory_space<hbm>>
        %dma_start3A_81 = tpu.memref_slice %arg4[%add3A_79] : memref<3200000xi32, #tpu.memory_space<hbm>> -> memref<2000xi32, #tpu.memory_space<hbm>>
        tpu.enqueue_dma source(%dma_start3A_81 : memref<2000xi32, #tpu.memory_space<hbm>>) target(%arg8 : memref<2000xi32, #tpu.memory_space<vmem>>) target_semaphore(%arg14 : memref<!tpu.dma_semaphore, #tpu.memory_space<semaphore_mem>>)
      } else {
      }
      %add3A_63 = arith.constant 1 : i32
      %add3A_64 = arith.addi %mul3A_41, %add3A_63 : i32
      %lt3A_65 = arith.constant 50 : i32
      %lt3A_66 = arith.cmpi slt, %add3A_64, %lt3A_65 : i32
      %convert_element_type3A_67 = arith.extui %lt3A_66 : i1 to i32
      %cond3A_68 = arith.constant 0 : i32
      %cond3A_69 = arith.cmpi ne, %convert_element_type3A_67, %cond3A_68 : i32
      scf.if %cond3A_69 {
        %add3A_70 = arith.constant 2 : i32
        %add3A_71 = arith.addi %mul3A_41, %add3A_70 : i32
        %lt3A_72 = arith.constant 50 : i32
        %lt3A_73 = arith.cmpi slt, %add3A_71, %lt3A_72 : i32
        %convert_element_type3A_74 = arith.extui %lt3A_73 : i1 to i32
        %cond3A_75 = arith.constant 0 : i32
        %cond3A_76 = arith.cmpi ne, %convert_element_type3A_74, %cond3A_75 : i32
        scf.if %cond3A_76 {
          %dma_wait3A_94 = arith.constant 0 : i32
          %dma_wait3A_95 = tpu.memref_slice %arg3[%dma_wait3A_94] : memref<3200000xi32, #tpu.memory_space<hbm>> -> memref<2000xi32, #tpu.memory_space<hbm>>
          %dma_wait3A_96 = arith.constant 0 : i32
          %dma_wait3A_97 = tpu.memref_slice %arg3[%dma_wait3A_96] : memref<3200000xi32, #tpu.memory_space<hbm>> -> memref<2000xi32, #tpu.memory_space<hbm>>
          tpu.wait_dma2 semaphore(%arg14 : memref<!tpu.dma_semaphore, #tpu.memory_space<semaphore_mem>>) src(%dma_wait3A_97 : memref<2000xi32, #tpu.memory_space<hbm>>) dst(%arg7 : memref<2000xi32, #tpu.memory_space<vmem>>)
          %dma_wait3A_98 = arith.constant 0 : i32
          %dma_wait3A_99 = tpu.memref_slice %arg4[%dma_wait3A_98] : memref<3200000xi32, #tpu.memory_space<hbm>> -> memref<2000xi32, #tpu.memory_space<hbm>>
          %dma_wait3A_100 = arith.constant 0 : i32
          %dma_wait3A_101 = tpu.memref_slice %arg4[%dma_wait3A_100] : memref<3200000xi32, #tpu.memory_space<hbm>> -> memref<2000xi32, #tpu.memory_space<hbm>>
          tpu.wait_dma2 semaphore(%arg14 : memref<!tpu.dma_semaphore, #tpu.memory_space<semaphore_mem>>) src(%dma_wait3A_101 : memref<2000xi32, #tpu.memory_space<hbm>>) dst(%arg8 : memref<2000xi32, #tpu.memory_space<vmem>>)
        } else {
        }
        %dma_wait3A_77 = arith.constant 0 : i32
        %dma_wait3A_78 = arith.constant 0 : i32
        %dma_wait3A_79 = tpu.memref_slice %arg2[%dma_wait3A_77, %dma_wait3A_78] : memref<100352x8xf32, #tpu.memory_space<hbm>> -> memref<100352x8xf32, #tpu.memory_space<hbm>>
        tpu.wait_indirect_dma semaphore(%arg17 : memref<!tpu.dma_semaphore, #tpu.memory_space<semaphore_mem>>) src(%dma_wait3A_79 : memref<100352x8xf32, #tpu.memory_space<hbm>>) dst(%arg12 : memref<2000x8xf32, #tpu.memory_space<vmem>>)
        %add3A_80 = arith.constant 2 : i32
        %add3A_81 = arith.addi %mul3A_41, %add3A_80 : i32
        %lt3A_82 = arith.constant 50 : i32
        %lt3A_83 = arith.cmpi slt, %add3A_81, %lt3A_82 : i32
        %convert_element_type3A_84 = arith.extui %lt3A_83 : i1 to i32
        %cond3A_85 = arith.constant 0 : i32
        %cond3A_86 = arith.cmpi ne, %convert_element_type3A_84, %cond3A_85 : i32
        scf.if %cond3A_86 {
          %dma_start3A_94 = arith.constant 0 : i32
          %dma_start3A_95 = arith.constant 0 : i32
          %dma_start3A_96 = tpu.memref_slice %arg2[%dma_start3A_94, %dma_start3A_95] : memref<100352x8xf32, #tpu.memory_space<hbm>> -> memref<100352x8xf32, #tpu.memory_space<hbm>>
          tpu.enqueue_indirect_dma source(%dma_start3A_96 : memref<100352x8xf32, #tpu.memory_space<hbm>>) target(%arg11 : memref<2000x8xf32, #tpu.memory_space<vmem>>) offsets(%arg7 : memref<2000xi32, #tpu.memory_space<vmem>>) semaphore(%arg16 : memref<!tpu.dma_semaphore, #tpu.memory_space<semaphore_mem>>)
        } else {
        }
        "tpu.region"() ({
          %run_scoped3A = tpu.sem_alloc : memref<!tpu.dma_semaphore, #tpu.memory_space<semaphore_mem>>
          %dma_start3A_94 = arith.constant 0 : i32
          %dma_start3A_95 = arith.constant 0 : i32
          %dma_start3A_96 = tpu.memref_slice %arg13[%dma_start3A_94, %dma_start3A_95] : memref<100352x8xf32, #tpu.memory_space<vmem_shared>> -> memref<100352x8xf32, #tpu.memory_space<vmem_shared>>
          tpu.enqueue_indirect_dma source(%arg12 : memref<2000x8xf32, #tpu.memory_space<vmem>>) target(%dma_start3A_96 : memref<100352x8xf32, #tpu.memory_space<vmem_shared>>) offsets(%arg10 : memref<2000xi32, #tpu.memory_space<vmem>>) semaphore(%run_scoped3A : memref<!tpu.dma_semaphore, #tpu.memory_space<semaphore_mem>>) {add = true}
          %dma_wait3A_97 = arith.constant 0 : i32
          %dma_wait3A_98 = arith.constant 0 : i32
          %dma_wait3A_99 = tpu.memref_slice %arg13[%dma_wait3A_97, %dma_wait3A_98] : memref<100352x8xf32, #tpu.memory_space<vmem_shared>> -> memref<100352x8xf32, #tpu.memory_space<vmem_shared>>
          tpu.wait_indirect_dma semaphore(%run_scoped3A : memref<!tpu.dma_semaphore, #tpu.memory_space<semaphore_mem>>) src(%arg12 : memref<2000x8xf32, #tpu.memory_space<vmem>>) dst(%dma_wait3A_99 : memref<100352x8xf32, #tpu.memory_space<vmem_shared>>)
          tpu.yield
        }) : () -> ()
        %add3A_87 = arith.constant 3 : i32
        %add3A_88 = arith.addi %mul3A_41, %add3A_87 : i32
        %lt3A_89 = arith.constant 50 : i32
        %lt3A_90 = arith.cmpi slt, %add3A_88, %lt3A_89 : i32
        %convert_element_type3A_91 = arith.extui %lt3A_90 : i1 to i32
        %cond3A_92 = arith.constant 0 : i32
        %cond3A_93 = arith.cmpi ne, %convert_element_type3A_91, %cond3A_92 : i32
        scf.if %cond3A_93 {
          %add3A_94 = arith.constant 3 : i32
          %add3A_95 = arith.addi %mul3A_41, %add3A_94 : i32
          %mul3A_96 = arith.constant 2000 : i32
          %mul3A_97 = arith.muli %add3A_95, %mul3A_96 : i32
          %add3A_98 = arith.addi %mul3A_4, %mul3A_97 : i32
          %dma_start3A_99 = tpu.memref_slice %arg3[%add3A_98] : memref<3200000xi32, #tpu.memory_space<hbm>> -> memref<2000xi32, #tpu.memory_space<hbm>>
          %dma_start3A_100 = tpu.memref_slice %arg3[%add3A_98] : memref<3200000xi32, #tpu.memory_space<hbm>> -> memref<2000xi32, #tpu.memory_space<hbm>>
          tpu.enqueue_dma source(%dma_start3A_100 : memref<2000xi32, #tpu.memory_space<hbm>>) target(%arg9 : memref<2000xi32, #tpu.memory_space<vmem>>) target_semaphore(%arg15 : memref<!tpu.dma_semaphore, #tpu.memory_space<semaphore_mem>>)
          %mul3A_101 = arith.constant 2000 : i32
          %mul3A_102 = arith.muli %add3A_95, %mul3A_101 : i32
          %add3A_103 = arith.addi %mul3A_4, %mul3A_102 : i32
          %dma_start3A_104 = tpu.memref_slice %arg4[%add3A_103] : memref<3200000xi32, #tpu.memory_space<hbm>> -> memref<2000xi32, #tpu.memory_space<hbm>>
          %dma_start3A_105 = tpu.memref_slice %arg4[%add3A_103] : memref<3200000xi32, #tpu.memory_space<hbm>> -> memref<2000xi32, #tpu.memory_space<hbm>>
          tpu.enqueue_dma source(%dma_start3A_105 : memref<2000xi32, #tpu.memory_space<hbm>>) target(%arg10 : memref<2000xi32, #tpu.memory_space<vmem>>) target_semaphore(%arg15 : memref<!tpu.dma_semaphore, #tpu.memory_space<semaphore_mem>>)
        } else {
        }
      } else {
      }
    }
    %scan3A_34 = arith.constant 25 : i32
    %barrier3A_35 = arith.constant 0 : index
    tpu.barrier barrier_id(%barrier3A_35)
    %mul3A_36 = arith.constant 100352 : i32
    %mul3A_37 = arith.muli %arg0, %mul3A_36 : i32
    %add3A_38 = arith.addi %mul3A_37, %mul3A_2 : i32
    "tpu.region"() ({
      %run_scoped3A = tpu.sem_alloc : memref<!tpu.dma_semaphore, #tpu.memory_space<semaphore_mem>>
      %dma_start3A_39 = arith.constant 0 : i32
      %dma_start3A_40 = tpu.memref_slice %arg6[%add3A_38, %dma_start3A_39] : memref<200704x8xf32, #tpu.memory_space<hbm>> -> memref<6272x8xf32, #tpu.memory_space<hbm>>
      %dma_start3A_41 = arith.constant 0 : i32
      %dma_start3A_42 = tpu.memref_slice %arg13[%mul3A_2, %dma_start3A_41] : memref<100352x8xf32, #tpu.memory_space<vmem_shared>> -> memref<6272x8xf32, #tpu.memory_space<vmem_shared>>
      tpu.enqueue_dma source(%dma_start3A_42 : memref<6272x8xf32, #tpu.memory_space<vmem_shared>>) target(%dma_start3A_40 : memref<6272x8xf32, #tpu.memory_space<hbm>>) target_semaphore(%run_scoped3A : memref<!tpu.dma_semaphore, #tpu.memory_space<semaphore_mem>>)
      %dma_wait3A_43 = arith.constant 0 : i32
      %dma_wait3A_44 = tpu.memref_slice %arg6[%add3A_38, %dma_wait3A_43] : memref<200704x8xf32, #tpu.memory_space<hbm>> -> memref<6272x8xf32, #tpu.memory_space<hbm>>
      %dma_wait3A_45 = arith.constant 0 : i32
      %dma_wait3A_46 = tpu.memref_slice %arg13[%mul3A_2, %dma_wait3A_45] : memref<100352x8xf32, #tpu.memory_space<vmem_shared>> -> memref<6272x8xf32, #tpu.memory_space<vmem_shared>>
      tpu.wait_dma2 semaphore(%run_scoped3A : memref<!tpu.dma_semaphore, #tpu.memory_space<semaphore_mem>>) src(%dma_wait3A_46 : memref<6272x8xf32, #tpu.memory_space<vmem_shared>>) dst(%dma_wait3A_44 : memref<6272x8xf32, #tpu.memory_space<hbm>>)
      tpu.yield
    }) : () -> ()
    return
  }
}

#map = affine_map<(d0, d1) -> (0)>
module attributes {stable_mosaic.version = 14 : i64} {
  func.func @k(%arg0: i32, %arg1: i32, %arg2: memref<3200000xi32, #tpu.memory_space<hbm>>, %arg3: memref<10000xf32, #tpu.memory_space<hbm>>, %arg4: memref<100352xf32, #tpu.memory_space<hbm>>, %arg5: memref<200704xf32, #tpu.memory_space<hbm>>, %arg6: memref<10000xi32, #tpu.memory_space<vmem>>, %arg7: memref<10000xi32, #tpu.memory_space<vmem>>, %arg8: memref<10000xf32, #tpu.memory_space<vmem>>, %arg9: memref<100352xf32, #tpu.memory_space<vmem_shared>>, %arg10: memref<!tpu.dma_semaphore, #tpu.memory_space<semaphore_mem>>, %arg11: memref<!tpu.dma_semaphore, #tpu.memory_space<semaphore_mem>>) attributes {dimension_semantics = [#tpu.dimension_semantics<core_parallel>, #tpu.dimension_semantics<subcore_parallel>], iteration_bounds = array<i64: 2, 16>, scalar_prefetch = 0 : i64, scratch_operands = 6 : i64, tpu.core_type = #tpu.core_type<sc_vector_subcore>, window_params = [{transform_indices = #map}, {transform_indices = #map}, {transform_indices = #map}, {transform_indices = #map}]} {
    %mul3A = arith.constant 2 : i32
    %mul3A_0 = arith.muli %arg1, %mul3A : i32
    %add3A = arith.addi %mul3A_0, %arg0 : i32
    %mul3A_1 = arith.constant 6272 : i32
    %mul3A_2 = arith.muli %arg1, %mul3A_1 : i32
    "tpu.region"() ({
      %run_scoped3A = tpu.sem_alloc : memref<!tpu.dma_semaphore, #tpu.memory_space<semaphore_mem>>
      tpu.enqueue_dma source(%arg3 : memref<10000xf32, #tpu.memory_space<hbm>>) target(%arg8 : memref<10000xf32, #tpu.memory_space<vmem>>) target_semaphore(%run_scoped3A : memref<!tpu.dma_semaphore, #tpu.memory_space<semaphore_mem>>)
      tpu.wait_dma2 semaphore(%run_scoped3A : memref<!tpu.dma_semaphore, #tpu.memory_space<semaphore_mem>>) src(%arg3 : memref<10000xf32, #tpu.memory_space<hbm>>) dst(%arg8 : memref<10000xf32, #tpu.memory_space<vmem>>)
      tpu.yield
    }) : () -> ()
    "tpu.region"() ({
      %run_scoped3A = tpu.sem_alloc : memref<!tpu.dma_semaphore, #tpu.memory_space<semaphore_mem>>
      %dma_start3A_19 = tpu.memref_slice %arg9[%mul3A_2] : memref<100352xf32, #tpu.memory_space<vmem_shared>> -> memref<6272xf32, #tpu.memory_space<vmem_shared>>
      %dma_start3A_20 = tpu.memref_slice %arg4[%mul3A_2] : memref<100352xf32, #tpu.memory_space<hbm>> -> memref<6272xf32, #tpu.memory_space<hbm>>
      tpu.enqueue_dma source(%dma_start3A_20 : memref<6272xf32, #tpu.memory_space<hbm>>) target(%dma_start3A_19 : memref<6272xf32, #tpu.memory_space<vmem_shared>>) target_semaphore(%run_scoped3A : memref<!tpu.dma_semaphore, #tpu.memory_space<semaphore_mem>>)
      %dma_wait3A = tpu.memref_slice %arg9[%mul3A_2] : memref<100352xf32, #tpu.memory_space<vmem_shared>> -> memref<6272xf32, #tpu.memory_space<vmem_shared>>
      %dma_wait3A_21 = tpu.memref_slice %arg4[%mul3A_2] : memref<100352xf32, #tpu.memory_space<hbm>> -> memref<6272xf32, #tpu.memory_space<hbm>>
      tpu.wait_dma2 semaphore(%run_scoped3A : memref<!tpu.dma_semaphore, #tpu.memory_space<semaphore_mem>>) src(%dma_wait3A_21 : memref<6272xf32, #tpu.memory_space<hbm>>) dst(%dma_wait3A : memref<6272xf32, #tpu.memory_space<vmem_shared>>)
      tpu.yield
    }) : () -> ()
    %barrier3A = arith.constant 0 : index
    tpu.barrier barrier_id(%barrier3A)
    %mul3A_3 = arith.constant 100000 : i32
    %mul3A_4 = arith.muli %add3A, %mul3A_3 : i32
    %dma_start3A = tpu.memref_slice %arg2[%mul3A_4] : memref<3200000xi32, #tpu.memory_space<hbm>> -> memref<10000xi32, #tpu.memory_space<hbm>>
    %dma_start3A_5 = tpu.memref_slice %arg2[%mul3A_4] : memref<3200000xi32, #tpu.memory_space<hbm>> -> memref<10000xi32, #tpu.memory_space<hbm>>
    tpu.enqueue_dma source(%dma_start3A_5 : memref<10000xi32, #tpu.memory_space<hbm>>) target(%arg6 : memref<10000xi32, #tpu.memory_space<vmem>>) target_semaphore(%arg10 : memref<!tpu.dma_semaphore, #tpu.memory_space<semaphore_mem>>)
    %add3A_6 = arith.constant 10000 : i32
    %add3A_7 = arith.addi %mul3A_4, %add3A_6 : i32
    %dma_start3A_8 = tpu.memref_slice %arg2[%add3A_7] : memref<3200000xi32, #tpu.memory_space<hbm>> -> memref<10000xi32, #tpu.memory_space<hbm>>
    %dma_start3A_9 = tpu.memref_slice %arg2[%add3A_7] : memref<3200000xi32, #tpu.memory_space<hbm>> -> memref<10000xi32, #tpu.memory_space<hbm>>
    tpu.enqueue_dma source(%dma_start3A_9 : memref<10000xi32, #tpu.memory_space<hbm>>) target(%arg7 : memref<10000xi32, #tpu.memory_space<vmem>>) target_semaphore(%arg11 : memref<!tpu.dma_semaphore, #tpu.memory_space<semaphore_mem>>)
    %scan3A = arith.constant 0 : i32
    %scan3A_10 = arith.constant 0 : i32
    %scan3A_11 = arith.constant 5 : i32
    %scan3A_12 = arith.addi %scan3A_10, %scan3A_11 : i32
    %scan3A_13 = arith.constant 1 : i32
    scf.for %scan3A_19 = %scan3A_10 to %scan3A_12 step %scan3A_13  : i32 {
      %mul3A_20 = arith.constant 2 : i32
      %mul3A_21 = arith.muli %mul3A_20, %scan3A_19 : i32
      %dma_wait3A = arith.constant 0 : i32
      %dma_wait3A_22 = tpu.memref_slice %arg2[%dma_wait3A] : memref<3200000xi32, #tpu.memory_space<hbm>> -> memref<10000xi32, #tpu.memory_space<hbm>>
      %dma_wait3A_23 = arith.constant 0 : i32
      %dma_wait3A_24 = tpu.memref_slice %arg2[%dma_wait3A_23] : memref<3200000xi32, #tpu.memory_space<hbm>> -> memref<10000xi32, #tpu.memory_space<hbm>>
      tpu.wait_dma2 semaphore(%arg10 : memref<!tpu.dma_semaphore, #tpu.memory_space<semaphore_mem>>) src(%dma_wait3A_24 : memref<10000xi32, #tpu.memory_space<hbm>>) dst(%arg6 : memref<10000xi32, #tpu.memory_space<vmem>>)
      "tpu.region"() ({
        %run_scoped3A = tpu.sem_alloc : memref<!tpu.dma_semaphore, #tpu.memory_space<semaphore_mem>>
        %dma_start3A_40 = arith.constant 0 : i32
        %dma_start3A_41 = tpu.memref_slice %arg9[%dma_start3A_40] : memref<100352xf32, #tpu.memory_space<vmem_shared>> -> memref<100352xf32, #tpu.memory_space<vmem_shared>>
        tpu.enqueue_indirect_dma source(%arg8 : memref<10000xf32, #tpu.memory_space<vmem>>) target(%dma_start3A_41 : memref<100352xf32, #tpu.memory_space<vmem_shared>>) offsets(%arg6 : memref<10000xi32, #tpu.memory_space<vmem>>) semaphore(%run_scoped3A : memref<!tpu.dma_semaphore, #tpu.memory_space<semaphore_mem>>) {add = true}
        %dma_wait3A_42 = arith.constant 0 : i32
        %dma_wait3A_43 = tpu.memref_slice %arg9[%dma_wait3A_42] : memref<100352xf32, #tpu.memory_space<vmem_shared>> -> memref<100352xf32, #tpu.memory_space<vmem_shared>>
        tpu.wait_indirect_dma semaphore(%run_scoped3A : memref<!tpu.dma_semaphore, #tpu.memory_space<semaphore_mem>>) src(%arg8 : memref<10000xf32, #tpu.memory_space<vmem>>) dst(%dma_wait3A_43 : memref<100352xf32, #tpu.memory_space<vmem_shared>>)
        tpu.yield
      }) : () -> ()
      %add3A_25 = arith.constant 2 : i32
      %add3A_26 = arith.addi %mul3A_21, %add3A_25 : i32
      %lt3A = arith.constant 10 : i32
      %lt3A_27 = arith.cmpi slt, %add3A_26, %lt3A : i32
      %convert_element_type3A = arith.extui %lt3A_27 : i1 to i32
      %cond3A = arith.constant 0 : i32
      %cond3A_28 = arith.cmpi ne, %convert_element_type3A, %cond3A : i32
      scf.if %cond3A_28 {
        %add3A_40 = arith.constant 2 : i32
        %add3A_41 = arith.addi %mul3A_21, %add3A_40 : i32
        %mul3A_42 = arith.constant 10000 : i32
        %mul3A_43 = arith.muli %add3A_41, %mul3A_42 : i32
        %add3A_44 = arith.addi %mul3A_4, %mul3A_43 : i32
        %dma_start3A_45 = tpu.memref_slice %arg2[%add3A_44] : memref<3200000xi32, #tpu.memory_space<hbm>> -> memref<10000xi32, #tpu.memory_space<hbm>>
        %dma_start3A_46 = tpu.memref_slice %arg2[%add3A_44] : memref<3200000xi32, #tpu.memory_space<hbm>> -> memref<10000xi32, #tpu.memory_space<hbm>>
        tpu.enqueue_dma source(%dma_start3A_46 : memref<10000xi32, #tpu.memory_space<hbm>>) target(%arg6 : memref<10000xi32, #tpu.memory_space<vmem>>) target_semaphore(%arg10 : memref<!tpu.dma_semaphore, #tpu.memory_space<semaphore_mem>>)
      } else {
      }
      %dma_wait3A_29 = arith.constant 0 : i32
      %dma_wait3A_30 = tpu.memref_slice %arg2[%dma_wait3A_29] : memref<3200000xi32, #tpu.memory_space<hbm>> -> memref<10000xi32, #tpu.memory_space<hbm>>
      %dma_wait3A_31 = arith.constant 0 : i32
      %dma_wait3A_32 = tpu.memref_slice %arg2[%dma_wait3A_31] : memref<3200000xi32, #tpu.memory_space<hbm>> -> memref<10000xi32, #tpu.memory_space<hbm>>
      tpu.wait_dma2 semaphore(%arg11 : memref<!tpu.dma_semaphore, #tpu.memory_space<semaphore_mem>>) src(%dma_wait3A_32 : memref<10000xi32, #tpu.memory_space<hbm>>) dst(%arg7 : memref<10000xi32, #tpu.memory_space<vmem>>)
      "tpu.region"() ({
        %run_scoped3A = tpu.sem_alloc : memref<!tpu.dma_semaphore, #tpu.memory_space<semaphore_mem>>
        %dma_start3A_40 = arith.constant 0 : i32
        %dma_start3A_41 = tpu.memref_slice %arg9[%dma_start3A_40] : memref<100352xf32, #tpu.memory_space<vmem_shared>> -> memref<100352xf32, #tpu.memory_space<vmem_shared>>
        tpu.enqueue_indirect_dma source(%arg8 : memref<10000xf32, #tpu.memory_space<vmem>>) target(%dma_start3A_41 : memref<100352xf32, #tpu.memory_space<vmem_shared>>) offsets(%arg7 : memref<10000xi32, #tpu.memory_space<vmem>>) semaphore(%run_scoped3A : memref<!tpu.dma_semaphore, #tpu.memory_space<semaphore_mem>>) {add = true}
        %dma_wait3A_42 = arith.constant 0 : i32
        %dma_wait3A_43 = tpu.memref_slice %arg9[%dma_wait3A_42] : memref<100352xf32, #tpu.memory_space<vmem_shared>> -> memref<100352xf32, #tpu.memory_space<vmem_shared>>
        tpu.wait_indirect_dma semaphore(%run_scoped3A : memref<!tpu.dma_semaphore, #tpu.memory_space<semaphore_mem>>) src(%arg8 : memref<10000xf32, #tpu.memory_space<vmem>>) dst(%dma_wait3A_43 : memref<100352xf32, #tpu.memory_space<vmem_shared>>)
        tpu.yield
      }) : () -> ()
      %add3A_33 = arith.constant 3 : i32
      %add3A_34 = arith.addi %mul3A_21, %add3A_33 : i32
      %lt3A_35 = arith.constant 10 : i32
      %lt3A_36 = arith.cmpi slt, %add3A_34, %lt3A_35 : i32
      %convert_element_type3A_37 = arith.extui %lt3A_36 : i1 to i32
      %cond3A_38 = arith.constant 0 : i32
      %cond3A_39 = arith.cmpi ne, %convert_element_type3A_37, %cond3A_38 : i32
      scf.if %cond3A_39 {
        %add3A_40 = arith.constant 3 : i32
        %add3A_41 = arith.addi %mul3A_21, %add3A_40 : i32
        %mul3A_42 = arith.constant 10000 : i32
        %mul3A_43 = arith.muli %add3A_41, %mul3A_42 : i32
        %add3A_44 = arith.addi %mul3A_4, %mul3A_43 : i32
        %dma_start3A_45 = tpu.memref_slice %arg2[%add3A_44] : memref<3200000xi32, #tpu.memory_space<hbm>> -> memref<10000xi32, #tpu.memory_space<hbm>>
        %dma_start3A_46 = tpu.memref_slice %arg2[%add3A_44] : memref<3200000xi32, #tpu.memory_space<hbm>> -> memref<10000xi32, #tpu.memory_space<hbm>>
        tpu.enqueue_dma source(%dma_start3A_46 : memref<10000xi32, #tpu.memory_space<hbm>>) target(%arg7 : memref<10000xi32, #tpu.memory_space<vmem>>) target_semaphore(%arg11 : memref<!tpu.dma_semaphore, #tpu.memory_space<semaphore_mem>>)
      } else {
      }
    }
    %scan3A_14 = arith.constant 5 : i32
    %barrier3A_15 = arith.constant 0 : index
    tpu.barrier barrier_id(%barrier3A_15)
    %mul3A_16 = arith.constant 100352 : i32
    %mul3A_17 = arith.muli %arg0, %mul3A_16 : i32
    %add3A_18 = arith.addi %mul3A_17, %mul3A_2 : i32
    "tpu.region"() ({
      %run_scoped3A = tpu.sem_alloc : memref<!tpu.dma_semaphore, #tpu.memory_space<semaphore_mem>>
      %dma_start3A_19 = tpu.memref_slice %arg5[%add3A_18] : memref<200704xf32, #tpu.memory_space<hbm>> -> memref<6272xf32, #tpu.memory_space<hbm>>
      %dma_start3A_20 = tpu.memref_slice %arg9[%mul3A_2] : memref<100352xf32, #tpu.memory_space<vmem_shared>> -> memref<6272xf32, #tpu.memory_space<vmem_shared>>
      tpu.enqueue_dma source(%dma_start3A_20 : memref<6272xf32, #tpu.memory_space<vmem_shared>>) target(%dma_start3A_19 : memref<6272xf32, #tpu.memory_space<hbm>>) target_semaphore(%run_scoped3A : memref<!tpu.dma_semaphore, #tpu.memory_space<semaphore_mem>>)
      %dma_wait3A = tpu.memref_slice %arg5[%add3A_18] : memref<200704xf32, #tpu.memory_space<hbm>> -> memref<6272xf32, #tpu.memory_space<hbm>>
      %dma_wait3A_21 = tpu.memref_slice %arg9[%mul3A_2] : memref<100352xf32, #tpu.memory_space<vmem_shared>> -> memref<6272xf32, #tpu.memory_space<vmem_shared>>
      tpu.wait_dma2 semaphore(%run_scoped3A : memref<!tpu.dma_semaphore, #tpu.memory_space<semaphore_mem>>) src(%dma_wait3A_21 : memref<6272xf32, #tpu.memory_space<vmem_shared>>) dst(%dma_wait3A : memref<6272xf32, #tpu.memory_space<hbm>>)
      tpu.yield
    }) : () -> ()
    return
  }
}

module attributes {stable_mosaic.version = 14 : i64} {
  func.func @_tc1_body(%arg0: memref<2x100352xf32, #tpu.memory_space<vmem>>, %arg1: memref<4x100352xf32, #tpu.memory_space<vmem>>, %arg2: memref<16x4xf32, #tpu.memory_space<vmem>>, %arg3: memref<16x100352xf32, #tpu.memory_space<vmem>>, %arg4: memref<1x100352xf32, #tpu.memory_space<vmem>>) attributes {dimension_semantics = [], scalar_prefetch = 0 : i64, scratch_operands = 0 : i64, tpu.core_type = #tpu.core_type<tc>} {
    %get3A = arith.constant 0 : index
    %get3A_0 = arith.constant 0 : index
    %get3A_1 = vector.load %arg0[%get3A, %get3A_0] : memref<2x100352xf32, #tpu.memory_space<vmem>>, vector<1x100352xf32>
    %get3A_2 = vector.shape_cast %get3A_1 : vector<1x100352xf32> to vector<100352xf32>
    %get3A_3 = arith.constant 1 : index
    %get3A_4 = arith.constant 0 : index
    %get3A_5 = vector.load %arg0[%get3A_3, %get3A_4] : memref<2x100352xf32, #tpu.memory_space<vmem>>, vector<1x100352xf32>
    %get3A_6 = vector.shape_cast %get3A_5 : vector<1x100352xf32> to vector<100352xf32>
    %add3A = arith.addf %get3A_2, %get3A_6 : vector<100352xf32>
    %add3A_7 = arith.constant 1.000000e+00 : f32
    %add3A_8 = vector.broadcast %add3A_7 : f32 to vector<100352xf32>
    %add3A_9 = arith.addf %add3A, %add3A_8 : vector<100352xf32>
    %rsqrt3A = math.rsqrt %add3A_9 : vector<100352xf32>
    %broadcast_in_dim3A = vector.shape_cast %rsqrt3A : vector<100352xf32> to vector<1x100352xf32>
    %get3A_10 = arith.constant 0 : index
    %get3A_11 = arith.constant 0 : index
    %get3A_12 = vector.load %arg2[%get3A_10, %get3A_11] : memref<16x4xf32, #tpu.memory_space<vmem>>, vector<16x4xf32>
    %get3A_13 = arith.constant 0 : index
    %get3A_14 = arith.constant 0 : index
    %get3A_15 = vector.load %arg1[%get3A_13, %get3A_14] : memref<4x100352xf32, #tpu.memory_space<vmem>>, vector<4x100352xf32>
    %dot_general3A = arith.constant dense<0.000000e+00> : vector<16x100352xf32>
    %dot_general3A_16 = tpu.matmul %get3A_12, %get3A_15, %dot_general3A {dimension_numbers = #tpu.dot_dimension_numbers<[1], [0], [0], [1], [0, 0, 1, 1], [], []>, transpose_lhs_hint = false} : vector<16x4xf32>, vector<4x100352xf32>, vector<16x100352xf32> -> vector<16x100352xf32>
    %mul3A = vector.broadcast %broadcast_in_dim3A : vector<1x100352xf32> to vector<16x100352xf32>
    %mul3A_17 = arith.mulf %dot_general3A_16, %mul3A : vector<16x100352xf32>
    %swap3A = arith.constant 0 : index
    %swap3A_18 = arith.constant 0 : index
    %swap3A_19 = vector.load %arg3[%swap3A, %swap3A_18] : memref<16x100352xf32, #tpu.memory_space<vmem>>, vector<16x100352xf32>
    tpu.vector_store %arg3[%swap3A, %swap3A_18], %mul3A_17 {strides = array<i32>} : memref<16x100352xf32, #tpu.memory_space<vmem>>, vector<16x100352xf32>,
    %swap3A_20 = arith.constant 0 : index
    %swap3A_21 = arith.constant 0 : index
    %swap3A_22 = vector.load %arg4[%swap3A_20, %swap3A_21] : memref<1x100352xf32, #tpu.memory_space<vmem>>, vector<1x100352xf32>
    tpu.vector_store %arg4[%swap3A_20, %swap3A_21], %broadcast_in_dim3A {strides = array<i32>} : memref<1x100352xf32, #tpu.memory_space<vmem>>, vector<1x100352xf32>,
    return
  }
}

module attributes {stable_mosaic.version = 14 : i64} {
  func.func @_tc2_body(%arg0: memref<2x16x100352xf32, #tpu.memory_space<vmem>>, %arg1: memref<16x100352xf32, #tpu.memory_space<vmem>>, %arg2: memref<1x100352xf32, #tpu.memory_space<vmem>>, %arg3: memref<16x1xf32, #tpu.memory_space<vmem>>, %arg4: memref<8x16xf32, #tpu.memory_space<vmem>>, %arg5: memref<8x100352xf32, #tpu.memory_space<vmem>>) attributes {dimension_semantics = [], scalar_prefetch = 0 : i64, scratch_operands = 0 : i64, tpu.core_type = #tpu.core_type<tc>} {
    %get3A = arith.constant 0 : index
    %get3A_0 = arith.constant 0 : index
    %get3A_1 = vector.load %arg2[%get3A, %get3A_0] : memref<1x100352xf32, #tpu.memory_space<vmem>>, vector<1x100352xf32>
    %get3A_2 = arith.constant 0 : index
    %get3A_3 = arith.constant 0 : index
    %get3A_4 = arith.constant 0 : index
    %get3A_5 = vector.load %arg0[%get3A_2, %get3A_3, %get3A_4] : memref<2x16x100352xf32, #tpu.memory_space<vmem>>, vector<1x16x100352xf32>
    %get3A_6 = vector.shape_cast %get3A_5 : vector<1x16x100352xf32> to vector<16x100352xf32>
    %get3A_7 = arith.constant 1 : index
    %get3A_8 = arith.constant 0 : index
    %get3A_9 = arith.constant 0 : index
    %get3A_10 = vector.load %arg0[%get3A_7, %get3A_8, %get3A_9] : memref<2x16x100352xf32, #tpu.memory_space<vmem>>, vector<1x16x100352xf32>
    %get3A_11 = vector.shape_cast %get3A_10 : vector<1x16x100352xf32> to vector<16x100352xf32>
    %add3A = arith.addf %get3A_6, %get3A_11 : vector<16x100352xf32>
    %get3A_12 = arith.constant 0 : index
    %get3A_13 = arith.constant 0 : index
    %get3A_14 = vector.load %arg1[%get3A_12, %get3A_13] : memref<16x100352xf32, #tpu.memory_space<vmem>>, vector<16x100352xf32>
    %add3A_15 = arith.addf %add3A, %get3A_14 : vector<16x100352xf32>
    %mul3A = vector.broadcast %get3A_1 : vector<1x100352xf32> to vector<16x100352xf32>
    %mul3A_16 = arith.mulf %mul3A, %add3A_15 : vector<16x100352xf32>
    %get3A_17 = arith.constant 0 : index
    %get3A_18 = arith.constant 0 : index
    %get3A_19 = vector.load %arg3[%get3A_17, %get3A_18] : memref<16x1xf32, #tpu.memory_space<vmem>>, vector<16x1xf32>
    %add3A_20 = vector.broadcast %get3A_19 : vector<16x1xf32> to vector<16x100352xf32>
    %add3A_21 = arith.addf %mul3A_16, %add3A_20 : vector<16x100352xf32>
    %tanh3A = math.tanh %add3A_21 : vector<16x100352xf32>
    %get3A_22 = arith.constant 0 : index
    %get3A_23 = arith.constant 0 : index
    %get3A_24 = vector.load %arg4[%get3A_22, %get3A_23] : memref<8x16xf32, #tpu.memory_space<vmem>>, vector<8x16xf32>
    %dot_general3A = arith.constant dense<0.000000e+00> : vector<8x100352xf32>
    %dot_general3A_25 = tpu.matmul %get3A_24, %tanh3A, %dot_general3A {dimension_numbers = #tpu.dot_dimension_numbers<[1], [0], [0], [1], [0, 0, 1, 1], [], []>, transpose_lhs_hint = false} : vector<8x16xf32>, vector<16x100352xf32>, vector<8x100352xf32> -> vector<8x100352xf32>
    %mul3A_26 = vector.broadcast %get3A_1 : vector<1x100352xf32> to vector<8x100352xf32>
    %mul3A_27 = arith.mulf %dot_general3A_25, %mul3A_26 : vector<8x100352xf32>
    %swap3A = arith.constant 0 : index
    %swap3A_28 = arith.constant 0 : index
    %swap3A_29 = vector.load %arg5[%swap3A, %swap3A_28] : memref<8x100352xf32, #tpu.memory_space<vmem>>, vector<8x100352xf32>
    tpu.vector_store %arg5[%swap3A, %swap3A_28], %mul3A_27 {strides = array<i32>} : memref<8x100352xf32, #tpu.memory_space<vmem>>, vector<8x100352xf32>,
    return
  }
}

module attributes {stable_mosaic.version = 14 : i64} {
  func.func @_tc3_body(%arg0: memref<2x8x100352xf32, #tpu.memory_space<vmem>>, %arg1: memref<8x100352xf32, #tpu.memory_space<vmem>>, %arg2: memref<1x100352xf32, #tpu.memory_space<vmem>>, %arg3: memref<8x1xf32, #tpu.memory_space<vmem>>, %arg4: memref<8x100352xf32, #tpu.memory_space<vmem>>) attributes {dimension_semantics = [], scalar_prefetch = 0 : i64, scratch_operands = 0 : i64, tpu.core_type = #tpu.core_type<tc>} {
    %get3A = arith.constant 0 : index
    %get3A_0 = arith.constant 0 : index
    %get3A_1 = vector.load %arg2[%get3A, %get3A_0] : memref<1x100352xf32, #tpu.memory_space<vmem>>, vector<1x100352xf32>
    %get3A_2 = arith.constant 0 : index
    %get3A_3 = arith.constant 0 : index
    %get3A_4 = arith.constant 0 : index
    %get3A_5 = vector.load %arg0[%get3A_2, %get3A_3, %get3A_4] : memref<2x8x100352xf32, #tpu.memory_space<vmem>>, vector<1x8x100352xf32>
    %get3A_6 = vector.shape_cast %get3A_5 : vector<1x8x100352xf32> to vector<8x100352xf32>
    %get3A_7 = arith.constant 1 : index
    %get3A_8 = arith.constant 0 : index
    %get3A_9 = arith.constant 0 : index
    %get3A_10 = vector.load %arg0[%get3A_7, %get3A_8, %get3A_9] : memref<2x8x100352xf32, #tpu.memory_space<vmem>>, vector<1x8x100352xf32>
    %get3A_11 = vector.shape_cast %get3A_10 : vector<1x8x100352xf32> to vector<8x100352xf32>
    %add3A = arith.addf %get3A_6, %get3A_11 : vector<8x100352xf32>
    %get3A_12 = arith.constant 0 : index
    %get3A_13 = arith.constant 0 : index
    %get3A_14 = vector.load %arg1[%get3A_12, %get3A_13] : memref<8x100352xf32, #tpu.memory_space<vmem>>, vector<8x100352xf32>
    %add3A_15 = arith.addf %add3A, %get3A_14 : vector<8x100352xf32>
    %mul3A = vector.broadcast %get3A_1 : vector<1x100352xf32> to vector<8x100352xf32>
    %mul3A_16 = arith.mulf %mul3A, %add3A_15 : vector<8x100352xf32>
    %get3A_17 = arith.constant 0 : index
    %get3A_18 = arith.constant 0 : index
    %get3A_19 = vector.load %arg3[%get3A_17, %get3A_18] : memref<8x1xf32, #tpu.memory_space<vmem>>, vector<8x1xf32>
    %add3A_20 = vector.broadcast %get3A_19 : vector<8x1xf32> to vector<8x100352xf32>
    %add3A_21 = arith.addf %mul3A_16, %add3A_20 : vector<8x100352xf32>
    %tanh3A = math.tanh %add3A_21 : vector<8x100352xf32>
    %swap3A = arith.constant 0 : index
    %swap3A_22 = arith.constant 0 : index
    %swap3A_23 = vector.load %arg4[%swap3A, %swap3A_22] : memref<8x100352xf32, #tpu.memory_space<vmem>>, vector<8x100352xf32>
    tpu.vector_store %arg4[%swap3A, %swap3A_22], %tanh3A {strides = array<i32>} : memref<8x100352xf32, #tpu.memory_space<vmem>>, vector<8x100352xf32>,
    return
  }
}

module attributes {stable_mosaic.version = 14 : i64} {
  func.func @_tc4_body(%arg0: memref<2x1024x8xf32, #tpu.memory_space<vmem>>, %arg1: memref<1024x4xf32, #tpu.memory_space<vmem>>, %arg2: memref<4x8xf32, #tpu.memory_space<vmem>>, %arg3: memref<8xf32, #tpu.memory_space<vmem>>, %arg4: memref<8x1xf32, #tpu.memory_space<vmem>>, %arg5: memref<8x1xf32, #tpu.memory_space<vmem>>, %arg6: memref<1xf32, #tpu.memory_space<vmem>>, %arg7: memref<1024x1xf32, #tpu.memory_space<vmem>>) attributes {dimension_semantics = [], scalar_prefetch = 0 : i64, scratch_operands = 0 : i64, tpu.core_type = #tpu.core_type<tc>} {
    %get3A = arith.constant 0 : index
    %get3A_0 = arith.constant 0 : index
    %get3A_1 = arith.constant 0 : index
    %get3A_2 = vector.load %arg0[%get3A, %get3A_0, %get3A_1] : memref<2x1024x8xf32, #tpu.memory_space<vmem>>, vector<1x1024x8xf32>
    %get3A_3 = vector.shape_cast %get3A_2 : vector<1x1024x8xf32> to vector<1024x8xf32>
    %get3A_4 = arith.constant 1 : index
    %get3A_5 = arith.constant 0 : index
    %get3A_6 = arith.constant 0 : index
    %get3A_7 = vector.load %arg0[%get3A_4, %get3A_5, %get3A_6] : memref<2x1024x8xf32, #tpu.memory_space<vmem>>, vector<1x1024x8xf32>
    %get3A_8 = vector.shape_cast %get3A_7 : vector<1x1024x8xf32> to vector<1024x8xf32>
    %add3A = arith.addf %get3A_3, %get3A_8 : vector<1024x8xf32>
    %get3A_9 = arith.constant 0 : index
    %get3A_10 = arith.constant 0 : index
    %get3A_11 = vector.load %arg1[%get3A_9, %get3A_10] : memref<1024x4xf32, #tpu.memory_space<vmem>>, vector<1024x4xf32>
    %get3A_12 = arith.constant 0 : index
    %get3A_13 = arith.constant 0 : index
    %get3A_14 = vector.load %arg2[%get3A_12, %get3A_13] : memref<4x8xf32, #tpu.memory_space<vmem>>, vector<4x8xf32>
    %dot_general3A = arith.constant dense<0.000000e+00> : vector<1024x8xf32>
    %dot_general3A_15 = tpu.matmul %get3A_11, %get3A_14, %dot_general3A {dimension_numbers = #tpu.dot_dimension_numbers<[1], [0], [0], [1], [0, 0, 1, 1], [], []>, transpose_lhs_hint = false} : vector<1024x4xf32>, vector<4x8xf32>, vector<1024x8xf32> -> vector<1024x8xf32>
    %get3A_16 = arith.constant 0 : index
    %get3A_17 = vector.load %arg3[%get3A_16] : memref<8xf32, #tpu.memory_space<vmem>>, vector<8xf32>
    %broadcast_in_dim3A = vector.shape_cast %get3A_17 : vector<8xf32> to vector<1x8xf32>
    %add3A_18 = vector.broadcast %broadcast_in_dim3A : vector<1x8xf32> to vector<1024x8xf32>
    %add3A_19 = arith.addf %dot_general3A_15, %add3A_18 : vector<1024x8xf32>
    %tanh3A = math.tanh %add3A_19 : vector<1024x8xf32>
    %get3A_20 = arith.constant 0 : index
    %get3A_21 = arith.constant 0 : index
    %get3A_22 = vector.load %arg4[%get3A_20, %get3A_21] : memref<8x1xf32, #tpu.memory_space<vmem>>, vector<8x1xf32>
    %dot_general3A_23 = arith.constant dense<0.000000e+00> : vector<1024x1xf32>
    %dot_general3A_24 = tpu.matmul %add3A, %get3A_22, %dot_general3A_23 {dimension_numbers = #tpu.dot_dimension_numbers<[1], [0], [0], [1], [0, 0, 1, 1], [], []>, transpose_lhs_hint = false} : vector<1024x8xf32>, vector<8x1xf32>, vector<1024x1xf32> -> vector<1024x1xf32>
    %get3A_25 = arith.constant 0 : index
    %get3A_26 = arith.constant 0 : index
    %get3A_27 = vector.load %arg5[%get3A_25, %get3A_26] : memref<8x1xf32, #tpu.memory_space<vmem>>, vector<8x1xf32>
    %dot_general3A_28 = arith.constant dense<0.000000e+00> : vector<1024x1xf32>
    %dot_general3A_29 = tpu.matmul %tanh3A, %get3A_27, %dot_general3A_28 {dimension_numbers = #tpu.dot_dimension_numbers<[1], [0], [0], [1], [0, 0, 1, 1], [], []>, transpose_lhs_hint = false} : vector<1024x8xf32>, vector<8x1xf32>, vector<1024x1xf32> -> vector<1024x1xf32>
    %add3A_30 = arith.addf %dot_general3A_24, %dot_general3A_29 : vector<1024x1xf32>
    %get3A_31 = arith.constant 0 : index
    %get3A_32 = vector.load %arg6[%get3A_31] : memref<1xf32, #tpu.memory_space<vmem>>, vector<1xf32>
    %broadcast_in_dim3A_33 = vector.shape_cast %get3A_32 : vector<1xf32> to vector<1x1xf32>
    %add3A_34 = vector.broadcast %broadcast_in_dim3A_33 : vector<1x1xf32> to vector<1024x1xf32>
    %add3A_35 = arith.addf %add3A_30, %add3A_34 : vector<1024x1xf32>
    %swap3A = arith.constant 0 : index
    %swap3A_36 = arith.constant 0 : index
    %swap3A_37 = vector.load %arg7[%swap3A, %swap3A_36] : memref<1024x1xf32, #tpu.memory_space<vmem>>, vector<1024x1xf32>
    tpu.vector_store %arg7[%swap3A, %swap3A_36], %add3A_35 {strides = array<i32>} : memref<1024x1xf32, #tpu.memory_space<vmem>>, vector<1024x1xf32>,
    return
  }
}

</mosaic_0001>

<sc_bundles>
// kernel: kernel.10.cloned.1.call-start
scs
__scs_entry_jumppad:
0x0: {  	(pc) =	sbr.rel $0x88, $3  }
0x1: {  	(tag) =	ssettag $0x0;
	lr =	simm.s32 $0x1  }
0x2: {  	[smem:$0x3F92] =	sst lr;
	_ =	strace $0xD0000000  }
0x3: {  	_ = 	snop  }
0x4: {  	_ = 	snop  }
0x5: {  	_ = 	snop  }
0x6: {  	_ = 	snop  }
0x7: {  	_ = 	snop  }
__scs_overlays_trampoline_lowered:
0x8: {  	[smem:$0x3FA1] =	sst s0  }
0x9: {  	[smem:$0x3FA2] =	sst s1  }
0xa: {  	[smem:$0x3FA3] =	sst s2  }
0xb: {  	[smem:$0x3FA4] =	sst s3  }
0xc: {  	[smem:$0x3FA5] =	sst s4  }
0xd: {  	[smem:$0x3FA6] =	sst s5  }
0xe: {  	[smem:$0x3FA7] =	sst s6  }
0xf: {  	[smem:$0x3FA8] =	sst s7  }
0x10: {  	[smem:$0x3FA9] =	sst s8  }
0x11: {  	[smem:$0x3FAA] =	sst s9;
	s0 =	simm.s32 @!p0 $0x0  }
0x12: {  	s1 =	sld [smem:$0x3F90];
	s0 =	simm.s32 @p0 $0x1  }
0x13: {  	[smem:$0x3FAB] =	sst s0;
	s0 =	simm.s32 @!p1 $0x0  }
0x14: {  	s2 =	sld [smem:$0x3F8F];
	s0 =	simm.s32 @p1 $0x1  }
0x15: {  	[smem:$0x3FAC] =	sst s0;
	s0 =	simm.s32 @!p2 $0x0  }
0x16: {  	s3 =	sld [smem:$0x3FDB];
	s0 =	simm.s32 @p2 $0x1  }
0x17: {  	s4 =	simm.s32 $0x1BF5;
	[smem:$0x3FAE] =	sst s0  }
0x18: {  	s0 =	sld [smem:$0x3F91];
	_ =	swait.ge [sflag:s4], $0x0  }
0x19: {  	s7 =	sld [smem:$0x3F92]  }
0x1a: {  	s8 =	sadd.s32 $0xFFFFE003, lr  }
0x1b: {  	s9 =	sadd.s32 $0xFFFFFEF7, lr;
	s5 =	simm.s32 $0xFFFFFFFF;
	p2 =	slt.u32 s8, $0xFFFFF086  }
0x1c: {  	p1 =	slt.u32 s9, $0xF7A;
	s5 =	simm.s32 @!p2 $0x0  }
0x1d: {  	s5 =	simm.s32 @p1 $0x1;
	p0 =	seq.s32 s7, s2  }
0x1e: {  	s7 =	smul.u32 @!p0 $0xF7A, s2;
	p2 =	seq.s32 @!p0 s5, $0x0  }
0x1f: {  	s9 =	smul.u32 $0xF7A, s1;
	s8 =	simm.s32 @!p0 $0x1BF5;
	p2 =	por !p2, p0  }
0x20: {  	[sflag:s8] =	ssyncset.s32 @!p0 $0xFFFFF086;
	s6 =	sadd.s32 @!p0 s3, s7;
	s7 =	simm.s32 @!p0 $0x108  }
0x21: {  	s3 =	sadd.s32 s3, s9;
	s6 =	sadd.s32 @!p0 $0x88, s6;
	s7 =	simm.s32 @p2 $0x1082  }
0x22: {  	[simem:s7], [sflag:s8] =	dma.local @!p0 [hbm:s6], $0xF7A  }
0x23: {  	s9 =	sor.u32 $0xD0000000, s2;
	s6 =	simm.s32 $0x108;
	_ =	swait.ge @!p0 [sflag:s8], $0x0  }
0x24: {  	s3 =	sadd.s32 $0x88, s3;
	s6 =	simm.s32 @!p1 $0x1082;
	[sflag:s4] =	ssyncset.s32 $0xFFFFF086  }
0x25: {  	[simem:s6], [sflag:s4] =	dma.local [hbm:s3], $0xF7A  }
0x26: {  	[smem:$0x3F92] =	sst s1;
	(tag) =	ssettag s2;
	_ =	strace s9  }
0x27: {  	s1 =	sld [smem:$0x3FA2]  }
0x28: {  	s2 =	sld [smem:$0x3FA3]  }
0x29: {  	s4 =	sld [smem:$0x3FA5]  }
0x2a: {  	p0 =	seq.s32 s5, $0x0;
	s5 =	sld [smem:$0x3FA6]  }
0x2b: {  	s6 =	sld [smem:$0x3FA7]  }
0x2c: {  	s7 =	sld [smem:$0x3FA8]  }
0x2d: {  	s3 =	simm.s32 $0x108;
	s8 =	sld [smem:$0x3FA9]  }
0x2e: {  	s3 =	simm.s32 @!p0 $0x1082;
	s9 =	sld [smem:$0x3FAA]  }
0x2f: {  	lr =	sadd.s32 s0, s3;
	s0 =	sld [smem:$0x3FA1]  }
0x30: {  	s3 =	sld [smem:$0x3FA4]  }
0x31: {  	[smem:$0x3FAD] =	sst s10  }
0x32: {  	s10 =	sld [smem:$0x3FAB];
	_ =	sdelay $0x3  }
0x33: {  	p0 =	seq.s32 s10, $0x1;
	s10 =	sld [smem:$0x3FAD];
	_ =	sdelay $0x3  }
0x34: {  	[smem:$0x3FAD] =	sst s10  }
0x35: {  	s10 =	sld [smem:$0x3FAC];
	_ =	sdelay $0x3  }
0x36: {  	p1 =	seq.s32 s10, $0x1;
	s10 =	sld [smem:$0x3FAD];
	_ =	sdelay $0x3  }
0x37: {  	[smem:$0x3FAD] =	sst s10  }
0x38: {  	s10 =	sld [smem:$0x3FAE]  }
0x39: {  	_ = 	snop;
	(pc) =	sbr.ind lr, $3  }
0x3a: {  	_ = 	snop  }
0x3b: {  	_ = 	snop  }
0x3c: {  	p2 =	seq.s32 s10, $0x1;
	s10 =	sld [smem:$0x3FAD]  }
0x3d: {  	_ =	shalt  }
0x3e: {  	_ =	shalt  }
0x3f: {  	_ =	shalt  }
0x40: {  	_ =	shalt  }
0x41: {  	_ =	shalt  }
0x42: {  	_ =	shalt  }
0x43: {  	_ =	shalt  }
0x44: {  	_ =	shalt  }
0x45: {  	_ =	shalt  }
0x46: {  	_ =	shalt  }
0x47: {  	_ =	shalt  }
0x48: {  	_ =	shalt  }
0x49: {  	_ =	shalt  }
0x4a: {  	_ =	shalt  }
0x4b: {  	_ =	shalt  }
0x4c: {  	_ =	shalt  }
0x4d: {  	_ =	shalt  }
0x4e: {  	_ =	shalt  }
0x4f: {  	_ =	shalt  }
0x50: {  	_ =	shalt  }
0x51: {  	_ =	shalt  }
0x52: {  	_ =	shalt  }
0x53: {  	_ =	shalt  }
0x54: {  	_ =	shalt  }
0x55: {  	_ =	shalt  }
0x56: {  	_ =	shalt  }
0x57: {  	_ =	shalt  }
0x58: {  	_ =	shalt  }
0x59: {  	_ =	shalt  }
0x5a: {  	_ =	shalt  }
0x5b: {  	_ =	shalt  }
0x5c: {  	_ =	shalt  }
0x5d: {  	_ =	shalt  }
0x5e: {  	_ =	shalt  }
0x5f: {  	_ =	shalt  }
0x60: {  	_ =	shalt  }
0x61: {  	_ =	shalt  }
0x62: {  	_ =	shalt  }
0x63: {  	_ =	shalt  }
0x64: {  	_ =	shalt  }
0x65: {  	_ =	shalt  }
0x66: {  	_ =	shalt  }
0x67: {  	_ =	shalt  }
0x68: {  	_ =	shalt  }
0x69: {  	_ =	shalt  }
0x6a: {  	_ =	shalt  }
0x6b: {  	_ =	shalt  }
0x6c: {  	_ =	shalt  }
0x6d: {  	_ =	shalt  }
0x6e: {  	_ =	shalt  }
0x6f: {  	_ =	shalt  }
0x70: {  	_ =	shalt  }
0x71: {  	_ =	shalt  }
0x72: {  	_ =	shalt  }
0x73: {  	_ =	shalt  }
0x74: {  	_ =	shalt  }
0x75: {  	_ =	shalt  }
0x76: {  	_ =	shalt  }
0x77: {  	_ =	shalt  }
0x78: {  	_ =	shalt  }
0x79: {  	_ =	shalt  }
0x7a: {  	_ =	shalt  }
0x7b: {  	_ =	shalt  }
0x7c: {  	_ =	shalt  }
0x7d: {  	_ =	shalt  }
0x7e: {  	_ =	shalt  }
0x7f: {  	_ =	shalt  }
0x80: {  	_ =	shalt  }
0x81: {  	_ =	shalt  }
0x82: {  	_ =	shalt  }
0x83: {  	_ =	shalt  }
0x84: {  	_ =	shalt  }
0x85: {  	_ =	shalt  }
0x86: {  	_ =	shalt  }
0x87: {  	_ =	shalt  }
.Lfunc_end0:
.L_simem_size_0:
called_computation_lowered:
.L_overlay_start_0:
0x88: {  	s2 =	sld [smem:$0x3FD9]  }
0x89: {  	s3 =	sld [smem:$0x3FFE];
	_ =	sdelay $0x1  }
0x8a: {  	s1 =	srdreg.scid  }
0x8b: {  	s0 =	sand.u32 $0x1, s1  }
0x8c: {  	s16 =	sshll.u32 s0, $0xA;
	s2 =	sadd.s32 s3, s2  }
0x8d: {  	s2 =	sadd.s32 s2, s16  }
0x8e: {  	[smem:$0x3FB9] =	sst s2  }
0x8f: {  	_ = 	snop  }
0x90: {  	(tm) =	ssettm $0x1  }
0x91: {  	s17 =	sld [smem:$0x3FFB];
	_ =	sdelay $0x3  }
0x92: {  	_ =	strace s17  }
0x93: {  	s2 =	sld [smem:$0x3FFC];
	_ =	sdelay $0x3  }
0x94: {  	_ =	strace s2  }
0x95: {  	s2 =	sld [smem:$0x3FFD];
	_ =	sdelay $0x3  }
0x96: {  	_ =	strace s2  }
0x97: {  	_ =	strace $0x8FFFFFFF  }
0x98: {  	s18 =	sld [smem:$0x3FDB];
	_ =	sdelay $0x1  }
0x99: {  	s19 =	simm.s32 $_scs_section_size  }
0x9a: {  	s4 =	simm.s32 $_size__tile_overlayer_lowered;
	s5 =	simm.s32 $_tile_overlayer_lowered  }
0x9b: {  	s22 =	simm.s32 $0x1BFF;
	s21 =	sshll.u32 s5, $0x1;
	s2 =	sadd.s32 s19, s18  }
0x9c: {  	s6 =	simm.s32 $0x0;
	s20 =	sshll.u32 s4, $0x1;
	s4 =	sadd.s32 s21, s2  }
0x9d: {  	[timem:s6], [sflag:s22] =	dma.local [hbm:s4], s20  }
0x9e: {  	_ =	swait.ge [sflag:s22], s20  }
0x9f: {  	s3 =	ssub.s32 $0x0, s20;
	[sflag:s22] =	ssyncset.done $0x0  }
0xa0: {  	[sflag:s22] =	ssyncadd.s32 s3;
	_ =	sdelay $0x1  }
0xa1: {  	s23 =	simm.s32 $0x1B8B  }
0xa2: {  	_ =	swait.ge [sflag:s23], $0x1  }
0xa3: {  	[sflag:s23] =	ssyncset.done $0x0  }
0xa4: {  	s25 =	simm.s32 $0x1B8E;
	s24 =	sld [smem:$0x3FFE];
	[sflag:s23] =	ssyncadd.s32 $0xFFFFFFFF  }
0xa5: {  	s26 =	simm.s32 $execute0_lowered;
	[smem:$0x3FD2] =	sst s25  }
0xa6: {  	s4 =	sshll.u32 s26, $0x1;
	_ =	strace $0x80000046;
	[dreg:$0x1] =	wrdreg $0xFFFFFFFF  }
0xa7: {  	s28 =	simm.s32 $_size_execute0_lowered;
	s2 =	sadd.s32 s2, s4;
	[dreg:$0x0] =	wrdreg $0x0  }
0xa8: {  	s4 =	sshll.u32 s28, $0x1;
	[dreg:$0x2] =	wrdreg s2  }
0xa9: {  	[dreg:$0x3] =	wrdreg s4  }
0xaa: {  	[dreg:$0x4] =	wrdreg $0xC0  }
0xab: {  	_ =	task [dreg:s6], $0x5FFFF  }
0xac: {  	[dreg:$0x1] =	wrdreg $0xFFFFFFFF  }
0xad: {  	[dreg:$0x0] =	wrdreg $0x60  }
0xae: {  	[dreg:$0x2] =	wrdreg s24  }
0xaf: {  	[dreg:$0x3] =	wrdreg $0x75300  }
0xb0: {  	[dreg:$0x4] =	wrdreg $0x9  }
0xb1: {  	_ =	task.clear_ibuf [dreg:s6], $0x5FFFF;
	_ =	strace $0x90000046  }
0xb2: {  	s29 =	simm.s32 $0x9;
	_ =	strace $0x80000048  }
0xb3: {  	_ =	swait.ge [sflag:s29], $0x1  }
0xb4: {  	[sflag:s29] =	ssyncadd.s32 $0xFFFFFFFF  }
0xb5: {  	_ =	strace $0x90000048  }
0xb6: {  	_ =	sfence  }
0xb7: {  	s30 =	sld [smem:$0x0];
	_ =	sdelay $0x2  }
0xb8: {  	s31 =	sshll.u32 s1, $0xD;
	s1 =	sshrl.u32 s1, $0x2  }
0xb9: {  	s3 =	sand.u32 $0x4000, s31;
	s1 =	sadd.s32 s1, s30  }
0xba: {  	s0 =	sor.u32 s3, s0;
	s1 =	sshll.u32 s1, $0x11  }
0xbb: {  	s0 =	sor.u32 s1, s0  }
0xbc: {  	s0 =	sadd.s32 $0x8F2B, s0  }
0xbd: {  	[sflag:s0] =	ssyncadd.remote.s32 $0x1  }
0xbe: {  	_ =	sfence.sel $0xFFFF  }
0xbf: {  	[dreg:$0x0] =	wrdreg $0xFFFFFFFF;
	(pc) =	sbr.abs _section_cstart, $3  }
0xc0: {  	[dreg:$0x1] =	wrdreg $0xFFFFFFFF  }
0xc1: {  	_ =	task.clear_ibuf [dreg:s6], $0x2FFFF;
	_ =	strace $0x9FFFFFFF  }
0xc2: {  	(tm) =	ssettm $0x7FFFFFFF  }
0xc3: {  	_ =	shalt  }
tec
execute0_lowered:
.L_overlay_start_1:
0x0: {  	(tag) =	ssettag $0x1  }
0x1: {  	s23 =	rddreg [dreg:$0x0]  }
0x2: {  	s2 =	rddreg [dreg:$0x1]  }
0x3: {  	s0 =	rddreg [dreg:$0x2]  }
0x4: {  	s4 =	srdreg.scid;
	s1 =	stileid.u32  }
0x5: {  	s3 =	simm.s32 $0x0;
	s6 =	simm.s32 $0x4E20;
	s5 =	simm.s32 $0x3  }
0x6: {  	s24 =	sand.u32 $0x1, s4;
	s30 =	sshll.u32 s1, $0x1;
	[smem:$0x7FF] =	sst s3  }
0x7: {  	s25 =	smul.u32 $0x1880, s1;
	s8 =	sshll.u32 s1, $0x6;
	s4 =	sor.u32 s24, s30  }
0x8: {  	_ =	strace $0x80000047;
	s10 =	smul.u32 $0x186A0, s4;
	s4 =	sadd.s32 $0xC9800, s23  }
0x9: {  	[tilespmem:s6], [sflag:$0x3] =	stream.linear.gather [hbm4b:s4+s3], $0x2710, $0x38;
	[tilespmem:$0x8DB0] =	vst v63  }
0xa: {  	s8 =	sor.u32 $0x1C03, s8;
	s7 =	sshrl.u32 s25, $0x3;
	_ =	swait.ge [sflag:s5], $0x2710  }
0xb: {  	s9 =	sadd.s32 s25, s2;
	s7 =	sadd.s32 s7, s23;
	[sflag:s5] =	ssyncset.done $0x0  }
0xc: {  	s9 =	sshrl.u32 s9, $0x3;
	s7 =	sadd.s32 $0xC6600, s7;
	[sflag:s5] =	ssyncadd.s32 $0xFFFFD8F0  }
0xd: {  	[spmem:s9], [sflag:s8] =	dma.local [hbm:s7], $0x310  }
0xe: {  	_ =	swait.ge [sflag:s5], $0x310  }
0xf: {  	s10 =	sshrl.u32 s10, $0x3;
	[sflag:s5] =	ssyncset.done $0x0  }
0x10: {  	s22 =	sadd.s32 s10, s23;
	[sflag:s5] =	ssyncadd.s32 $0xFFFFFCF0  }
0x11: {  	s10 =	sadd.s32 $0x64A00, s22;
	[bflag:$0x0] =	sbarrier.arrive $0xFFFF  }
0x12: {  	[tilespmem:s3], [sflag:$0x1] =	stream.linear.gather [hbm4b:s10+s3], $0x2710, $0x38;
	[tilespmem:$0x8DB0] =	vst v63  }
0x13: {  	s12 =	simm.s32 $0x2710;
	s13 =	simm.s32 $0x1;
	s11 =	sadd.s32 $0x64EE2, s22  }
0x14: {  	[tilespmem:s12], [sflag:$0x2] =	stream.linear.gather [hbm4b:s11+s3], $0x2710, $0x38;
	[tilespmem:$0x8DB0] =	vst v63  }
0x15: {  	_ =	swait.ge [sflag:s13], $0x2710  }
0x16: {  	[sflag:s13] =	ssyncset.done $0x0  }
0x17: {  	[sflag:s13] =	ssyncadd.s32 $0xFFFFD8F0  }
0x18: {  	[spmem:s2] =	stream.indirect.scatter.add.f32 [tilespmem:s6], [sflag:$0x3], $0x1, s3, s12, $0xb8;
	[tilespmem:$0x8DB0] =	vst v63  }
0x19: {  	_ =	swait.ge [sflag:s5], $0x2710  }
0x1a: {  	[sflag:s5] =	ssyncset.done $0x0  }
0x1b: {  	s15 =	simm.s32 $0x2;
	s14 =	sadd.s32 $0x653C4, s22;
	[sflag:s5] =	ssyncadd.s32 $0xFFFFD8F0  }
0x1c: {  	[tilespmem:s3], [sflag:$0x1] =	stream.linear.gather [hbm4b:s14+s3], $0x2710, $0x38;
	[tilespmem:$0x8DB0] =	vst v63  }
0x1d: {  	_ =	swait.ge [sflag:s15], $0x2710  }
0x1e: {  	[sflag:s15] =	ssyncset.done $0x0  }
0x1f: {  	[sflag:s15] =	ssyncadd.s32 $0xFFFFD8F0  }
0x20: {  	[spmem:s2] =	stream.indirect.scatter.add.f32 [tilespmem:s6], [sflag:$0x3], $0x1, s12, s12, $0xb8;
	[tilespmem:$0x8DB0] =	vst v63  }
0x21: {  	_ =	swait.ge [sflag:s5], $0x2710  }
0x22: {  	[sflag:s5] =	ssyncset.done $0x0  }
0x23: {  	s16 =	sadd.s32 $0x658A6, s22;
	[sflag:s5] =	ssyncadd.s32 $0xFFFFD8F0  }
0x24: {  	[tilespmem:s12], [sflag:$0x2] =	stream.linear.gather [hbm4b:s16+s3], $0x2710, $0x38;
	[tilespmem:$0x8DB0] =	vst v63  }
0x25: {  	_ =	swait.ge [sflag:s13], $0x2710  }
0x26: {  	[sflag:s13] =	ssyncset.done $0x0  }
0x27: {  	[sflag:s13] =	ssyncadd.s32 $0xFFFFD8F0  }
0x28: {  	[spmem:s2] =	stream.indirect.scatter.add.f32 [tilespmem:s6], [sflag:$0x3], $0x1, s3, s12, $0xb8;
	[tilespmem:$0x8DB0] =	vst v63  }
0x29: {  	_ =	swait.ge [sflag:s5], $0x2710  }
0x2a: {  	[sflag:s5] =	ssyncset.done $0x0  }
0x2b: {  	s17 =	sadd.s32 $0x65D88, s22;
	[sflag:s5] =	ssyncadd.s32 $0xFFFFD8F0  }
0x2c: {  	[tilespmem:s3], [sflag:$0x1] =	stream.linear.gather [hbm4b:s17+s3], $0x2710, $0x38;
	[tilespmem:$0x8DB0] =	vst v63  }
0x2d: {  	_ =	swait.ge [sflag:s15], $0x2710  }
0x2e: {  	[sflag:s15] =	ssyncset.done $0x0  }
0x2f: {  	[sflag:s15] =	ssyncadd.s32 $0xFFFFD8F0  }
0x30: {  	[spmem:s2] =	stream.indirect.scatter.add.f32 [tilespmem:s6], [sflag:$0x3], $0x1, s12, s12, $0xb8;
	[tilespmem:$0x8DB0] =	vst v63  }
0x31: {  	_ =	swait.ge [sflag:s5], $0x2710  }
0x32: {  	[sflag:s5] =	ssyncset.done $0x0  }
0x33: {  	s18 =	sadd.s32 $0x6626A, s22;
	[sflag:s5] =	ssyncadd.s32 $0xFFFFD8F0  }
0x34: {  	[tilespmem:s12], [sflag:$0x2] =	stream.linear.gather [hbm4b:s18+s3], $0x2710, $0x38;
	[tilespmem:$0x8DB0] =	vst v63  }
0x35: {  	_ =	swait.ge [sflag:s13], $0x2710  }
0x36: {  	[sflag:s13] =	ssyncset.done $0x0  }
0x37: {  	[sflag:s13] =	ssyncadd.s32 $0xFFFFD8F0  }
0x38: {  	[spmem:s2] =	stream.indirect.scatter.add.f32 [tilespmem:s6], [sflag:$0x3], $0x1, s3, s12, $0xb8;
	[tilespmem:$0x8DB0] =	vst v63  }
0x39: {  	_ =	swait.ge [sflag:s5], $0x2710  }
0x3a: {  	[sflag:s5] =	ssyncset.done $0x0  }
0x3b: {  	s19 =	sadd.s32 $0x6674C, s22;
	[sflag:s5] =	ssyncadd.s32 $0xFFFFD8F0  }
0x3c: {  	[tilespmem:s3], [sflag:$0x1] =	stream.linear.gather [hbm4b:s19+s3], $0x2710, $0x38;
	[tilespmem:$0x8DB0] =	vst v63  }
0x3d: {  	_ =	swait.ge [sflag:s15], $0x2710  }
0x3e: {  	[sflag:s15] =	ssyncset.done $0x0  }
0x3f: {  	[sflag:s15] =	ssyncadd.s32 $0xFFFFD8F0  }
0x40: {  	[spmem:s2] =	stream.indirect.scatter.add.f32 [tilespmem:s6], [sflag:$0x3], $0x1, s12, s12, $0xb8;
	[tilespmem:$0x8DB0] =	vst v63  }
0x41: {  	_ =	swait.ge [sflag:s5], $0x2710  }
0x42: {  	[sflag:s5] =	ssyncset.done $0x0  }
0x43: {  	s20 =	sadd.s32 $0x66C2E, s22;
	[sflag:s5] =	ssyncadd.s32 $0xFFFFD8F0  }
0x44: {  	[tilespmem:s12], [sflag:$0x2] =	stream.linear.gather [hbm4b:s20+s3], $0x2710, $0x38;
	[tilespmem:$0x8DB0] =	vst v63  }
0x45: {  	_ =	swait.ge [sflag:s13], $0x2710  }
0x46: {  	[sflag:s13] =	ssyncset.done $0x0  }
0x47: {  	[sflag:s13] =	ssyncadd.s32 $0xFFFFD8F0  }
0x48: {  	[spmem:s2] =	stream.indirect.scatter.add.f32 [tilespmem:s6], [sflag:$0x3], $0x1, s3, s12, $0xb8;
	[tilespmem:$0x8DB0] =	vst v63  }
0x49: {  	_ =	swait.ge [sflag:s5], $0x2710  }
0x4a: {  	[sflag:s5] =	ssyncset.done $0x0  }
0x4b: {  	s21 =	sadd.s32 $0x67110, s22;
	[sflag:s5] =	ssyncadd.s32 $0xFFFFD8F0  }
0x4c: {  	[tilespmem:s3], [sflag:$0x1] =	stream.linear.gather [hbm4b:s21+s3], $0x2710, $0x38;
	[tilespmem:$0x8DB0] =	vst v63  }
0x4d: {  	_ =	swait.ge [sflag:s15], $0x2710  }
0x4e: {  	[sflag:s15] =	ssyncset.done $0x0  }
0x4f: {  	[sflag:s15] =	ssyncadd.s32 $0xFFFFD8F0  }
0x50: {  	[spmem:s2] =	stream.indirect.scatter.add.f32 [tilespmem:s6], [sflag:$0x3], $0x1, s12, s12, $0xb8;
	[tilespmem:$0x8DB0] =	vst v63  }
0x51: {  	_ =	swait.ge [sflag:s5], $0x2710  }
0x52: {  	[sflag:s5] =	ssyncset.done $0x0  }
0x53: {  	s22 =	sadd.s32 $0x675F2, s22;
	[sflag:s5] =	ssyncadd.s32 $0xFFFFD8F0  }
0x54: {  	[tilespmem:s12], [sflag:$0x2] =	stream.linear.gather [hbm4b:s22+s3], $0x2710, $0x38;
	[tilespmem:$0x8DB0] =	vst v63  }
0x55: {  	_ =	swait.ge [sflag:s13], $0x2710  }
0x56: {  	[sflag:s13] =	ssyncset.done $0x0  }
0x57: {  	[sflag:s13] =	ssyncadd.s32 $0xFFFFD8F0  }
0x58: {  	[spmem:s2] =	stream.indirect.scatter.add.f32 [tilespmem:s6], [sflag:$0x3], $0x1, s3, s12, $0xb8;
	[tilespmem:$0x8DB0] =	vst v63  }
0x59: {  	_ =	swait.ge [sflag:s5], $0x2710  }
0x5a: {  	[sflag:s5] =	ssyncset.done $0x0  }
0x5b: {  	[sflag:s5] =	ssyncadd.s32 $0xFFFFD8F0  }
0x5c: {  	s26 =	smul.u32 $0x18800, s24;
	s24 =	ssub.s32 $0x2, s24;
	_ =	swait.ge [sflag:s15], $0x2710  }
0x5d: {  	s31 =	sshrl.u32 s24, $0x1;
	[sflag:s15] =	ssyncset.done $0x0  }
0x5e: {  	s24 =	ssub.s32 s24, s31;
	[sflag:s15] =	ssyncadd.s32 $0xFFFFD8F0  }
0x5f: {  	[spmem:s2] =	stream.indirect.scatter.add.f32 [tilespmem:s6], [sflag:$0x3], $0x1, s12, s12, $0xb8;
	[tilespmem:$0x8DB0] =	vst v63  }
0x60: {  	s25 =	sadd.s32 s25, s26;
	s24 =	smax.u32 s24, $0x1;
	_ =	swait.ge [sflag:s5], $0x2710  }
0x61: {  	s25 =	sshrl.u32 s25, $0x3;
	p0 =	sne.s32 s24, $0x1;
	[sflag:s5] =	ssyncset.done $0x0  }
.Ltmp0:
0x62: {  	s23 =	sadd.s32 s25, s23;
	[sflag:s5] =	ssyncadd.s32 $0xFFFFD8F0;
	(pc) =	sbr.rel @!p0 .LBB2_2-.Ltmp0, $4  }
0x63: {  	s23 =	sadd.s32 $0xC9E00, s23;
	[bflag:$0x0] =	sbarrier.arrive $0xFFFF  }
0x64: {  	[hbm:s23], [sflag:s8] =	dma.local [spmem:s9], $0x310  }
0x65: {  	_ =	swait.ge [sflag:s5], $0x310  }
0x66: {  	s24 =	sadd.s32 $0xFFFFFFFF, s24;
	[sflag:s5] =	ssyncset.done $0x0  }
.LBB2_1:
0x67: {  	p0 =	sne.s32 s24, $0x1;
	s24 =	sadd.s32 $0xFFFFFFFF, s24;
	[sflag:s5] =	ssyncadd.s32 $0xFFFFFCF0  }
0x68: {  	[tilespmem:s6], [sflag:$0x3] =	stream.linear.gather [hbm4b:s4+s3], $0x2710, $0x38;
	[tilespmem:$0x8DB0] =	vst v63  }
0x69: {  	_ =	swait.ge [sflag:s5], $0x2710  }
0x6a: {  	[sflag:s5] =	ssyncset.done $0x0  }
0x6b: {  	[sflag:s5] =	ssyncadd.s32 $0xFFFFD8F0  }
0x6c: {  	[spmem:s9], [sflag:s8] =	dma.local [hbm:s7], $0x310  }
0x6d: {  	_ =	swait.ge [sflag:s5], $0x310  }
0x6e: {  	[sflag:s5] =	ssyncset.done $0x0  }
0x6f: {  	[sflag:s5] =	ssyncadd.s32 $0xFFFFFCF0  }
0x70: {  	[bflag:$0x0] =	sbarrier.arrive $0xFFFF  }
0x71: {  	[tilespmem:s3], [sflag:$0x1] =	stream.linear.gather [hbm4b:s10+s3], $0x2710, $0x38;
	[tilespmem:$0x8DB0] =	vst v63  }
0x72: {  	_ = 	snop  }
0x73: {  	[tilespmem:s12], [sflag:$0x2] =	stream.linear.gather [hbm4b:s11+s3], $0x2710, $0x38;
	[tilespmem:$0x8DB0] =	vst v63  }
0x74: {  	_ =	swait.ge [sflag:s13], $0x2710  }
0x75: {  	[sflag:s13] =	ssyncset.done $0x0  }
0x76: {  	[sflag:s13] =	ssyncadd.s32 $0xFFFFD8F0  }
0x77: {  	[spmem:s2] =	stream.indirect.scatter.add.f32 [tilespmem:s6], [sflag:$0x3], $0x1, s3, s12, $0xb8;
	[tilespmem:$0x8DB0] =	vst v63  }
0x78: {  	_ =	swait.ge [sflag:s5], $0x2710  }
0x79: {  	[sflag:s5] =	ssyncset.done $0x0  }
0x7a: {  	[sflag:s5] =	ssyncadd.s32 $0xFFFFD8F0  }
0x7b: {  	[tilespmem:s3], [sflag:$0x1] =	stream.linear.gather [hbm4b:s14+s3], $0x2710, $0x38;
	[tilespmem:$0x8DB0] =	vst v63  }
0x7c: {  	_ =	swait.ge [sflag:s15], $0x2710  }
0x7d: {  	[sflag:s15] =	ssyncset.done $0x0  }
0x7e: {  	[sflag:s15] =	ssyncadd.s32 $0xFFFFD8F0  }
0x7f: {  	[spmem:s2] =	stream.indirect.scatter.add.f32 [tilespmem:s6], [sflag:$0x3], $0x1, s12, s12, $0xb8;
	[tilespmem:$0x8DB0] =	vst v63  }
0x80: {  	_ =	swait.ge [sflag:s5], $0x2710  }
0x81: {  	[sflag:s5] =	ssyncset.done $0x0  }
0x82: {  	[sflag:s5] =	ssyncadd.s32 $0xFFFFD8F0  }
0x83: {  	[tilespmem:s12], [sflag:$0x2] =	stream.linear.gather [hbm4b:s16+s3], $0x2710, $0x38;
	[tilespmem:$0x8DB0] =	vst v63  }
0x84: {  	_ =	swait.ge [sflag:s13], $0x2710  }
0x85: {  	[sflag:s13] =	ssyncset.done $0x0  }
0x86: {  	[sflag:s13] =	ssyncadd.s32 $0xFFFFD8F0  }
0x87: {  	[spmem:s2] =	stream.indirect.scatter.add.f32 [tilespmem:s6], [sflag:$0x3], $0x1, s3, s12, $0xb8;
	[tilespmem:$0x8DB0] =	vst v63  }
0x88: {  	_ =	swait.ge [sflag:s5], $0x2710  }
0x89: {  	[sflag:s5] =	ssyncset.done $0x0  }
0x8a: {  	[sflag:s5] =	ssyncadd.s32 $0xFFFFD8F0  }
0x8b: {  	[tilespmem:s3], [sflag:$0x1] =	stream.linear.gather [hbm4b:s17+s3], $0x2710, $0x38;
	[tilespmem:$0x8DB0] =	vst v63  }
0x8c: {  	_ =	swait.ge [sflag:s15], $0x2710  }
0x8d: {  	[sflag:s15] =	ssyncset.done $0x0  }
0x8e: {  	[sflag:s15] =	ssyncadd.s32 $0xFFFFD8F0  }
0x8f: {  	[spmem:s2] =	stream.indirect.scatter.add.f32 [tilespmem:s6], [sflag:$0x3], $0x1, s12, s12, $0xb8;
	[tilespmem:$0x8DB0] =	vst v63  }
0x90: {  	_ =	swait.ge [sflag:s5], $0x2710  }
0x91: {  	[sflag:s5] =	ssyncset.done $0x0  }
0x92: {  	[sflag:s5] =	ssyncadd.s32 $0xFFFFD8F0  }
0x93: {  	[tilespmem:s12], [sflag:$0x2] =	stream.linear.gather [hbm4b:s18+s3], $0x2710, $0x38;
	[tilespmem:$0x8DB0] =	vst v63  }
0x94: {  	_ =	swait.ge [sflag:s13], $0x2710  }
0x95: {  	[sflag:s13] =	ssyncset.done $0x0  }
0x96: {  	[sflag:s13] =	ssyncadd.s32 $0xFFFFD8F0  }
0x97: {  	[spmem:s2] =	stream.indirect.scatter.add.f32 [tilespmem:s6], [sflag:$0x3], $0x1, s3, s12, $0xb8;
	[tilespmem:$0x8DB0] =	vst v63  }
0x98: {  	_ =	swait.ge [sflag:s5], $0x2710  }
0x99: {  	[sflag:s5] =	ssyncset.done $0x0  }
0x9a: {  	[sflag:s5] =	ssyncadd.s32 $0xFFFFD8F0  }
0x9b: {  	[tilespmem:s3], [sflag:$0x1] =	stream.linear.gather [hbm4b:s19+s3], $0x2710, $0x38;
	[tilespmem:$0x8DB0] =	vst v63  }
0x9c: {  	_ =	swait.ge [sflag:s15], $0x2710  }
0x9d: {  	[sflag:s15] =	ssyncset.done $0x0  }
0x9e: {  	[sflag:s15] =	ssyncadd.s32 $0xFFFFD8F0  }
0x9f: {  	[spmem:s2] =	stream.indirect.scatter.add.f32 [tilespmem:s6], [sflag:$0x3], $0x1, s12, s12, $0xb8;
	[tilespmem:$0x8DB0] =	vst v63  }
0xa0: {  	_ =	swait.ge [sflag:s5], $0x2710  }
0xa1: {  	[sflag:s5] =	ssyncset.done $0x0  }
0xa2: {  	[sflag:s5] =	ssyncadd.s32 $0xFFFFD8F0  }
0xa3: {  	[tilespmem:s12], [sflag:$0x2] =	stream.linear.gather [hbm4b:s20+s3], $0x2710, $0x38;
	[tilespmem:$0x8DB0] =	vst v63  }
0xa4: {  	_ =	swait.ge [sflag:s13], $0x2710  }
0xa5: {  	[sflag:s13] =	ssyncset.done $0x0  }
0xa6: {  	[sflag:s13] =	ssyncadd.s32 $0xFFFFD8F0  }
0xa7: {  	[spmem:s2] =	stream.indirect.scatter.add.f32 [tilespmem:s6], [sflag:$0x3], $0x1, s3, s12, $0xb8;
	[tilespmem:$0x8DB0] =	vst v63  }
0xa8: {  	_ =	swait.ge [sflag:s5], $0x2710  }
0xa9: {  	[sflag:s5] =	ssyncset.done $0x0  }
0xaa: {  	[sflag:s5] =	ssyncadd.s32 $0xFFFFD8F0  }
0xab: {  	[tilespmem:s3], [sflag:$0x1] =	stream.linear.gather [hbm4b:s21+s3], $0x2710, $0x38;
	[tilespmem:$0x8DB0] =	vst v63  }
0xac: {  	_ =	swait.ge [sflag:s15], $0x2710  }
0xad: {  	[sflag:s15] =	ssyncset.done $0x0  }
0xae: {  	[sflag:s15] =	ssyncadd.s32 $0xFFFFD8F0  }
0xaf: {  	[spmem:s2] =	stream.indirect.scatter.add.f32 [tilespmem:s6], [sflag:$0x3], $0x1, s12, s12, $0xb8;
	[tilespmem:$0x8DB0] =	vst v63  }
0xb0: {  	_ =	swait.ge [sflag:s5], $0x2710  }
0xb1: {  	[sflag:s5] =	ssyncset.done $0x0  }
0xb2: {  	[sflag:s5] =	ssyncadd.s32 $0xFFFFD8F0  }
0xb3: {  	[tilespmem:s12], [sflag:$0x2] =	stream.linear.gather [hbm4b:s22+s3], $0x2710, $0x38;
	[tilespmem:$0x8DB0] =	vst v63  }
0xb4: {  	_ =	swait.ge [sflag:s13], $0x2710  }
0xb5: {  	[sflag:s13] =	ssyncset.done $0x0  }
0xb6: {  	[sflag:s13] =	ssyncadd.s32 $0xFFFFD8F0  }
0xb7: {  	[spmem:s2] =	stream.indirect.scatter.add.f32 [tilespmem:s6], [sflag:$0x3], $0x1, s3, s12, $0xb8;
	[tilespmem:$0x8DB0] =	vst v63  }
0xb8: {  	_ =	swait.ge [sflag:s5], $0x2710  }
0xb9: {  	[sflag:s5] =	ssyncset.done $0x0  }
0xba: {  	[sflag:s5] =	ssyncadd.s32 $0xFFFFD8F0  }
0xbb: {  	_ =	swait.ge [sflag:s15], $0x2710  }
0xbc: {  	[sflag:s15] =	ssyncset.done $0x0  }
0xbd: {  	[sflag:s15] =	ssyncadd.s32 $0xFFFFD8F0  }
0xbe: {  	[spmem:s2] =	stream.indirect.scatter.add.f32 [tilespmem:s6], [sflag:$0x3], $0x1, s12, s12, $0xb8;
	[tilespmem:$0x8DB0] =	vst v63  }
0xbf: {  	_ =	swait.ge [sflag:s5], $0x2710  }
0xc0: {  	[sflag:s5] =	ssyncset.done $0x0  }
.Ltmp1:
0xc1: {  	[sflag:s5] =	ssyncadd.s32 $0xFFFFD8F0;
	(pc) =	sbr.rel @p0 .LBB2_1-.Ltmp1, $4  }
0xc2: {  	[bflag:$0x0] =	sbarrier.arrive $0xFFFF  }
0xc3: {  	[hbm:s23], [sflag:s8] =	dma.local [spmem:s9], $0x310  }
0xc4: {  	_ =	swait.ge [sflag:s5], $0x310  }
0xc5: {  	[sflag:s5] =	ssyncset.done $0x0  }
.LBB2_2:
0xc6: {  	[sflag:s5] =	ssyncadd.s32 $0xFFFFFCF0  }
0xc7: {  	_ =	sfence.sel $0x180000  }
0xc8: {  	[bflag:$0x0] =	sbarrier.arrive $0xFFFF  }
0xc9: {  	p0 =	sne.s32 s1, $0x0;
	_ =	strace $0x90000047  }
0xca: {  	s0 =	sadd.s32 @!p0 $0x100000, s0;
	[bflag:$0x2] =	sbarrier.arrive $0xFFFF  }
0xcb: {  	[sflag:s0] =	ssyncadd.tile.s32 @!p0 $0x1;
	_ =	shalt  }
.Lfunc_end2:
_tile_overlayer_lowered:
.L_overlay_start_2:
0xcc: {  	(tag) =	ssettag $0x2  }
0xcd: {  	s0 =	rddreg [dreg:$0x0];
	s2 =	stileid.u32  }
0xce: {  	s1 =	rddreg [dreg:$0x1];
	p0 =	sne.s32 s2, $0x0  }
0xcf: {  	s3 =	rddreg [dreg:$0x2];
	[bflag:$0x3] =	sbarrier.arrive $0xFFFF;
	s2 =	simm.s32 @!p0 $0x1C03  }
0xd0: {  	[timem:s3], [sflag:s2] =	dma.local @!p0 [hbm:s0], s1  }
0xd1: {  	s0 =	simm.s32 @!p0 $0x3  }
0xd2: {  	_ =	swait.ge @!p0 [sflag:s0], s1  }
0xd3: {  	s1 =	ssub.s32 @!p0 $0x0, s1;
	[sflag:s0] =	ssyncset.done @!p0 $0x0  }
0xd4: {  	[sflag:s0] =	ssyncadd.s32 @!p0 s1  }
0xd5: {  	[bflag:$0x3] =	sbarrier.arrive $0xFFFF  }
0xd6: {  	_ =	shalt  }

// kernel: kernel.13.cloned.1.call-start
scs
__scs_entry_jumppad:
0x0: {  	(pc) =	sbr.rel $0x88, $3  }
0x1: {  	(tag) =	ssettag $0x0;
	lr =	simm.s32 $0x1  }
0x2: {  	[smem:$0x3F92] =	sst lr;
	_ =	strace $0xD0000000  }
0x3: {  	_ = 	snop  }
0x4: {  	_ = 	snop  }
0x5: {  	_ = 	snop  }
0x6: {  	_ = 	snop  }
0x7: {  	_ = 	snop  }
__scs_overlays_trampoline_lowered:
0x8: {  	[smem:$0x3FA1] =	sst s0  }
0x9: {  	[smem:$0x3FA2] =	sst s1  }
0xa: {  	[smem:$0x3FA3] =	sst s2  }
0xb: {  	[smem:$0x3FA4] =	sst s3  }
0xc: {  	[smem:$0x3FA5] =	sst s4  }
0xd: {  	[smem:$0x3FA6] =	sst s5  }
0xe: {  	[smem:$0x3FA7] =	sst s6  }
0xf: {  	[smem:$0x3FA8] =	sst s7  }
0x10: {  	[smem:$0x3FA9] =	sst s8  }
0x11: {  	[smem:$0x3FAA] =	sst s9;
	s0 =	simm.s32 @!p0 $0x0  }
0x12: {  	s1 =	sld [smem:$0x3F90];
	s0 =	simm.s32 @p0 $0x1  }
0x13: {  	[smem:$0x3FAB] =	sst s0;
	s0 =	simm.s32 @!p1 $0x0  }
0x14: {  	s2 =	sld [smem:$0x3F8F];
	s0 =	simm.s32 @p1 $0x1  }
0x15: {  	[smem:$0x3FAC] =	sst s0;
	s0 =	simm.s32 @!p2 $0x0  }
0x16: {  	s3 =	sld [smem:$0x3FDB];
	s0 =	simm.s32 @p2 $0x1  }
0x17: {  	s4 =	simm.s32 $0x1BF5;
	[smem:$0x3FAE] =	sst s0  }
0x18: {  	s0 =	sld [smem:$0x3F91];
	_ =	swait.ge [sflag:s4], $0x0  }
0x19: {  	s7 =	sld [smem:$0x3F92]  }
0x1a: {  	s8 =	sadd.s32 $0xFFFFE003, lr  }
0x1b: {  	s9 =	sadd.s32 $0xFFFFFEF7, lr;
	s5 =	simm.s32 $0xFFFFFFFF;
	p2 =	slt.u32 s8, $0xFFFFF086  }
0x1c: {  	p1 =	slt.u32 s9, $0xF7A;
	s5 =	simm.s32 @!p2 $0x0  }
0x1d: {  	s5 =	simm.s32 @p1 $0x1;
	p0 =	seq.s32 s7, s2  }
0x1e: {  	s7 =	smul.u32 @!p0 $0xF7A, s2;
	p2 =	seq.s32 @!p0 s5, $0x0  }
0x1f: {  	s9 =	smul.u32 $0xF7A, s1;
	s8 =	simm.s32 @!p0 $0x1BF5;
	p2 =	por !p2, p0  }
0x20: {  	[sflag:s8] =	ssyncset.s32 @!p0 $0xFFFFF086;
	s6 =	sadd.s32 @!p0 s3, s7;
	s7 =	simm.s32 @!p0 $0x108  }
0x21: {  	s3 =	sadd.s32 s3, s9;
	s6 =	sadd.s32 @!p0 $0x88, s6;
	s7 =	simm.s32 @p2 $0x1082  }
0x22: {  	[simem:s7], [sflag:s8] =	dma.local @!p0 [hbm:s6], $0xF7A  }
0x23: {  	s9 =	sor.u32 $0xD0000000, s2;
	s6 =	simm.s32 $0x108;
	_ =	swait.ge @!p0 [sflag:s8], $0x0  }
0x24: {  	s3 =	sadd.s32 $0x88, s3;
	s6 =	simm.s32 @!p1 $0x1082;
	[sflag:s4] =	ssyncset.s32 $0xFFFFF086  }
0x25: {  	[simem:s6], [sflag:s4] =	dma.local [hbm:s3], $0xF7A  }
0x26: {  	[smem:$0x3F92] =	sst s1;
	(tag) =	ssettag s2;
	_ =	strace s9  }
0x27: {  	s1 =	sld [smem:$0x3FA2]  }
0x28: {  	s2 =	sld [smem:$0x3FA3]  }
0x29: {  	s4 =	sld [smem:$0x3FA5]  }
0x2a: {  	p0 =	seq.s32 s5, $0x0;
	s5 =	sld [smem:$0x3FA6]  }
0x2b: {  	s6 =	sld [smem:$0x3FA7]  }
0x2c: {  	s7 =	sld [smem:$0x3FA8]  }
0x2d: {  	s3 =	simm.s32 $0x108;
	s8 =	sld [smem:$0x3FA9]  }
0x2e: {  	s3 =	simm.s32 @!p0 $0x1082;
	s9 =	sld [smem:$0x3FAA]  }
0x2f: {  	lr =	sadd.s32 s0, s3;
	s0 =	sld [smem:$0x3FA1]  }
0x30: {  	s3 =	sld [smem:$0x3FA4]  }
0x31: {  	[smem:$0x3FAD] =	sst s10  }
0x32: {  	s10 =	sld [smem:$0x3FAB];
	_ =	sdelay $0x3  }
0x33: {  	p0 =	seq.s32 s10, $0x1;
	s10 =	sld [smem:$0x3FAD];
	_ =	sdelay $0x3  }
0x34: {  	[smem:$0x3FAD] =	sst s10  }
0x35: {  	s10 =	sld [smem:$0x3FAC];
	_ =	sdelay $0x3  }
0x36: {  	p1 =	seq.s32 s10, $0x1;
	s10 =	sld [smem:$0x3FAD];
	_ =	sdelay $0x3  }
0x37: {  	[smem:$0x3FAD] =	sst s10  }
0x38: {  	s10 =	sld [smem:$0x3FAE]  }
0x39: {  	_ = 	snop;
	(pc) =	sbr.ind lr, $3  }
0x3a: {  	_ = 	snop  }
0x3b: {  	_ = 	snop  }
0x3c: {  	p2 =	seq.s32 s10, $0x1;
	s10 =	sld [smem:$0x3FAD]  }
0x3d: {  	_ =	shalt  }
0x3e: {  	_ =	shalt  }
0x3f: {  	_ =	shalt  }
0x40: {  	_ =	shalt  }
0x41: {  	_ =	shalt  }
0x42: {  	_ =	shalt  }
0x43: {  	_ =	shalt  }
0x44: {  	_ =	shalt  }
0x45: {  	_ =	shalt  }
0x46: {  	_ =	shalt  }
0x47: {  	_ =	shalt  }
0x48: {  	_ =	shalt  }
0x49: {  	_ =	shalt  }
0x4a: {  	_ =	shalt  }
0x4b: {  	_ =	shalt  }
0x4c: {  	_ =	shalt  }
0x4d: {  	_ =	shalt  }
0x4e: {  	_ =	shalt  }
0x4f: {  	_ =	shalt  }
0x50: {  	_ =	shalt  }
0x51: {  	_ =	shalt  }
0x52: {  	_ =	shalt  }
0x53: {  	_ =	shalt  }
0x54: {  	_ =	shalt  }
0x55: {  	_ =	shalt  }
0x56: {  	_ =	shalt  }
0x57: {  	_ =	shalt  }
0x58: {  	_ =	shalt  }
0x59: {  	_ =	shalt  }
0x5a: {  	_ =	shalt  }
0x5b: {  	_ =	shalt  }
0x5c: {  	_ =	shalt  }
0x5d: {  	_ =	shalt  }
0x5e: {  	_ =	shalt  }
0x5f: {  	_ =	shalt  }
0x60: {  	_ =	shalt  }
0x61: {  	_ =	shalt  }
0x62: {  	_ =	shalt  }
0x63: {  	_ =	shalt  }
0x64: {  	_ =	shalt  }
0x65: {  	_ =	shalt  }
0x66: {  	_ =	shalt  }
0x67: {  	_ =	shalt  }
0x68: {  	_ =	shalt  }
0x69: {  	_ =	shalt  }
0x6a: {  	_ =	shalt  }
0x6b: {  	_ =	shalt  }
0x6c: {  	_ =	shalt  }
0x6d: {  	_ =	shalt  }
0x6e: {  	_ =	shalt  }
0x6f: {  	_ =	shalt  }
0x70: {  	_ =	shalt  }
0x71: {  	_ =	shalt  }
0x72: {  	_ =	shalt  }
0x73: {  	_ =	shalt  }
0x74: {  	_ =	shalt  }
0x75: {  	_ =	shalt  }
0x76: {  	_ =	shalt  }
0x77: {  	_ =	shalt  }
0x78: {  	_ =	shalt  }
0x79: {  	_ =	shalt  }
0x7a: {  	_ =	shalt  }
0x7b: {  	_ =	shalt  }
0x7c: {  	_ =	shalt  }
0x7d: {  	_ =	shalt  }
0x7e: {  	_ =	shalt  }
0x7f: {  	_ =	shalt  }
0x80: {  	_ =	shalt  }
0x81: {  	_ =	shalt  }
0x82: {  	_ =	shalt  }
0x83: {  	_ =	shalt  }
0x84: {  	_ =	shalt  }
0x85: {  	_ =	shalt  }
0x86: {  	_ =	shalt  }
0x87: {  	_ =	shalt  }
.Lfunc_end0:
.L_simem_size_0:
called_computation.1_lowered:
.L_overlay_start_0:
0x88: {  	s2 =	sld [smem:$0x3FD9]  }
0x89: {  	s3 =	sld [smem:$0x3FFE];
	_ =	sdelay $0x1  }
0x8a: {  	s1 =	srdreg.scid  }
0x8b: {  	s0 =	sand.u32 $0x1, s1  }
0x8c: {  	s16 =	sshll.u32 s0, $0xA;
	s2 =	sadd.s32 s3, s2  }
0x8d: {  	s2 =	sadd.s32 s2, s16  }
0x8e: {  	[smem:$0x3FB9] =	sst s2  }
0x8f: {  	_ = 	snop  }
0x90: {  	(tm) =	ssettm $0x1  }
0x91: {  	s17 =	sld [smem:$0x3FFB];
	_ =	sdelay $0x3  }
0x92: {  	_ =	strace s17  }
0x93: {  	s2 =	sld [smem:$0x3FFC];
	_ =	sdelay $0x3  }
0x94: {  	_ =	strace s2  }
0x95: {  	s2 =	sld [smem:$0x3FFD];
	_ =	sdelay $0x3  }
0x96: {  	_ =	strace s2  }
0x97: {  	_ =	strace $0x8FFFFFFF  }
0x98: {  	s18 =	sld [smem:$0x3FDB];
	_ =	sdelay $0x1  }
0x99: {  	s19 =	simm.s32 $_scs_section_size  }
0x9a: {  	s4 =	simm.s32 $_size__tile_overlayer_lowered;
	s5 =	simm.s32 $_tile_overlayer_lowered  }
0x9b: {  	s22 =	simm.s32 $0x1BFF;
	s21 =	sshll.u32 s5, $0x1;
	s2 =	sadd.s32 s19, s18  }
0x9c: {  	s6 =	simm.s32 $0x0;
	s20 =	sshll.u32 s4, $0x1;
	s4 =	sadd.s32 s21, s2  }
0x9d: {  	[timem:s6], [sflag:s22] =	dma.local [hbm:s4], s20  }
0x9e: {  	_ =	swait.ge [sflag:s22], s20  }
0x9f: {  	s3 =	ssub.s32 $0x0, s20;
	[sflag:s22] =	ssyncset.done $0x0  }
0xa0: {  	[sflag:s22] =	ssyncadd.s32 s3;
	_ =	sdelay $0x1  }
0xa1: {  	s23 =	simm.s32 $0x1B8B  }
0xa2: {  	_ =	swait.ge [sflag:s23], $0x1  }
0xa3: {  	[sflag:s23] =	ssyncset.done $0x0  }
0xa4: {  	s25 =	simm.s32 $0x1B8E;
	s24 =	sld [smem:$0x3FFE];
	[sflag:s23] =	ssyncadd.s32 $0xFFFFFFFF  }
0xa5: {  	s26 =	simm.s32 $execute0_lowered;
	[smem:$0x3FD2] =	sst s25  }
0xa6: {  	s4 =	sshll.u32 s26, $0x1;
	_ =	strace $0x80000049;
	[dreg:$0x1] =	wrdreg $0xFFFFFFFF  }
0xa7: {  	s28 =	simm.s32 $_size_execute0_lowered;
	s2 =	sadd.s32 s2, s4;
	[dreg:$0x0] =	wrdreg $0x0  }
0xa8: {  	s4 =	sshll.u32 s28, $0x1;
	[dreg:$0x2] =	wrdreg s2  }
0xa9: {  	[dreg:$0x3] =	wrdreg s4  }
0xaa: {  	[dreg:$0x4] =	wrdreg $0xC0  }
0xab: {  	_ =	task [dreg:s6], $0x5FFFF  }
0xac: {  	[dreg:$0x1] =	wrdreg $0xFFFFFFFF  }
0xad: {  	[dreg:$0x0] =	wrdreg $0x60  }
0xae: {  	[dreg:$0x2] =	wrdreg s24  }
0xaf: {  	[dreg:$0x3] =	wrdreg $0x70800  }
0xb0: {  	[dreg:$0x4] =	wrdreg $0x9  }
0xb1: {  	_ =	task.clear_ibuf [dreg:s6], $0x5FFFF;
	_ =	strace $0x90000049  }
0xb2: {  	s29 =	simm.s32 $0x9;
	_ =	strace $0x8000004B  }
0xb3: {  	_ =	swait.ge [sflag:s29], $0x1  }
0xb4: {  	[sflag:s29] =	ssyncadd.s32 $0xFFFFFFFF  }
0xb5: {  	_ =	strace $0x9000004B  }
0xb6: {  	_ =	sfence  }
0xb7: {  	s30 =	sld [smem:$0x0];
	_ =	sdelay $0x2  }
0xb8: {  	s31 =	sshll.u32 s1, $0xD;
	s1 =	sshrl.u32 s1, $0x2  }
0xb9: {  	s3 =	sand.u32 $0x4000, s31;
	s1 =	sadd.s32 s1, s30  }
0xba: {  	s0 =	sor.u32 s3, s0;
	s1 =	sshll.u32 s1, $0x11  }
0xbb: {  	s0 =	sor.u32 s1, s0  }
0xbc: {  	s0 =	sadd.s32 $0x8F2B, s0  }
0xbd: {  	[sflag:s0] =	ssyncadd.remote.s32 $0x1  }
0xbe: {  	_ =	sfence.sel $0xFFFF  }
0xbf: {  	[dreg:$0x0] =	wrdreg $0xFFFFFFFF;
	(pc) =	sbr.abs _section_cstart, $3  }
0xc0: {  	[dreg:$0x1] =	wrdreg $0xFFFFFFFF  }
0xc1: {  	_ =	task.clear_ibuf [dreg:s6], $0x2FFFF;
	_ =	strace $0x9FFFFFFF  }
0xc2: {  	(tm) =	ssettm $0x7FFFFFFF  }
0xc3: {  	_ =	shalt  }
tec
execute0_lowered:
.L_overlay_start_1:
0x0: {  	(tag) =	ssettag $0x1  }
0x1: {  	s0 =	rddreg [dreg:$0x0]  }
0x2: {  	s2 =	rddreg [dreg:$0x1];
	s3 =	simm.s32 $0x0;
	s1 =	stileid.u32  }
0x3: {  	s5 =	srdreg.scid;
	s19 =	simm.s32 $0x5;
	s20 =	simm.s32 $0x320  }
0x4: {  	s21 =	simm.s32 $0x640;
	s28 =	simm.s32 $0x3E80;
	s29 =	simm.s32 $0x4  }
0x5: {  	s30 =	simm.s32 $0x0;
	[smem:$0x7FF] =	sst s3;
	s7 =	smul.u32 $0x18800, s1  }
0x6: {  	s4 =	sadd.s32 $0x24E600, s0;
	s8 =	sand.u32 $0x1, s5;
	s9 =	smul.u32 $0x3100, s1  }
0x7: {  	s5 =	sadd.s32 $0x2E00, s0;
	s6 =	sadd.s32 $0x64A00, s0;
	s12 =	sshll.u32 s1, $0x1  }
0x8: {  	s24 =	smul.u32 $0x30D40, s1;
	s25 =	sshll.u32 s1, $0x6;
	_ =	strace $0x8000004A  }
0x9: {  	s11 =	smul.u32 $0x31000, s8;
	s22 =	ssub.s32 $0x2, s8;
	s12 =	sor.u32 s8, s12  }
0xa: {  	s13 =	smul.u32 $0x186A0, s8;
	s8 =	sor.u32 $0x1C05, s25;
	s25 =	simm.s32 $0x2  }
0xb: {  	s10 =	sshrl.u32 s7, $0x3;
	s23 =	sshrl.u32 s22, $0x1;
	s12 =	smul.u32 $0x186A0, s12  }
0xc: {  	s18 =	sadd.s32 s7, s2;
	s10 =	sadd.s32 s10, s0;
	s9 =	sadd.s32 s9, s11  }
0xd: {  	s14 =	ssub.s32 s22, s23;
	s17 =	sadd.s32 s13, s24;
	s18 =	sshrl.u32 s18, $0x3  }
0xe: {  	s22 =	simm.s32 $0x960;
	s23 =	simm.s32 $0x1;
	s24 =	simm.s32 $0xC80  }
0xf: {  	s0 =	sadd.s32 s9, s0;
	s12 =	sshrl.u32 s12, $0x3;
	s26 =	sadd.s32 $0xC6600, s10  }
.Ltmp0:
0x10: {  	s15 =	sadd.s32 $0x960, s17;
	s14 =	smax.u32 s14, $0x1;
	(pc) =	sbr.rel .LBB2_1-.Ltmp0, $4  }
0x11: {  	s17 =	sadd.s32 $0x640, s17;
	[dreg:$0x3] =	wrdreg s26;
	s9 =	sadd.s32 s5, s12  }
0x12: {  	s10 =	sadd.s32 s6, s12;
	s12 =	sadd.s32 $0x64, s12;
	s13 =	sadd.s32 $0xF7600, s0  }
0x13: {  	s31 =	sshrl.u32 s15, $0x3;
	s26 =	simm.s32 $0x3;
	s11 =	sadd.s32 s5, s12  }
0x14: {  	s12 =	sadd.s32 s6, s12;
	s15 =	sadd.s32 s31, s6;
	s16 =	sadd.s32 s31, s5  }
.LBB2_4:
0x15: {  	_ =	swait.ge [sflag:s26], $0x3200  }
0x16: {  	[sflag:s26] =	ssyncset.done $0x0  }
0x17: {  	[sflag:s26] =	ssyncadd.s32 $0xFFFFCE00  }
0x18: {  	[spmem:s2] =	stream.indirect.scatter.add.f32 [tilespmem:s24], [sflag:$0x5], $0x10, s20, s20, $0xb8;
	[tilespmem:$0x1F880] =	vst v63  }
0x19: {  	_ =	swait.ge [sflag:s19], $0x3200  }
0x1a: {  	s30 =	sadd.s32 $0x1, s30;
	[sflag:s19] =	ssyncset.done $0x0  }
0x1b: {  	p0 =	sne.s32 s30, s14;
	[sflag:s19] =	ssyncadd.s32 $0xFFFFCE00  }
.Ltmp1:
0x1c: {  	[bflag:$0x0] =	sbarrier.arrive $0xFFFF;
	(pc) =	sbr.rel @!p0 .LBB2_5-.Ltmp1, $4  }
0x1d: {  	[hbm:s13], [sflag:s8] =	dma.local [spmem:s18], $0x3100  }
0x1e: {  	_ =	swait.ge [sflag:s19], $0x3100  }
0x1f: {  	[sflag:s19] =	ssyncset.done $0x0  }
0x20: {  	[sflag:s19] =	ssyncadd.s32 $0xFFFFCF00  }
.LBB2_1:
0x21: {  	s0 =	rddreg [dreg:$0x3]  }
0x22: {  	[spmem:s18], [sflag:s8] =	dma.local [hbm:s0], $0x3100  }
0x23: {  	_ =	swait.ge [sflag:s19], $0x3100  }
0x24: {  	[sflag:s19] =	ssyncset.done $0x0  }
0x25: {  	[sflag:s19] =	ssyncadd.s32 $0xFFFFCF00  }
0x26: {  	[bflag:$0x0] =	sbarrier.arrive $0xFFFF  }
0x27: {  	[tilespmem:s3], [sflag:$0x1] =	stream.linear.gather [hbm4b:s9+s3], $0x320, $0x38;
	[tilespmem:$0x1F880] =	vst v63  }
0x28: {  	_ = 	snop  }
0x29: {  	[tilespmem:s20], [sflag:$0x1] =	stream.linear.gather [hbm4b:s10+s3], $0x320, $0x38;
	[tilespmem:$0x1F880] =	vst v63  }
0x2a: {  	_ = 	snop  }
0x2b: {  	[tilespmem:s21], [sflag:$0x2] =	stream.linear.gather [hbm4b:s11+s3], $0x320, $0x38;
	[tilespmem:$0x1F880] =	vst v63  }
0x2c: {  	_ = 	snop  }
0x2d: {  	[tilespmem:s22], [sflag:$0x2] =	stream.linear.gather [hbm4b:s12+s3], $0x320, $0x38;
	[tilespmem:$0x1F880] =	vst v63  }
0x2e: {  	_ =	swait.ge [sflag:s23], $0x320  }
0x2f: {  	[sflag:s23] =	ssyncset.done $0x0  }
0x30: {  	[sflag:s23] =	ssyncadd.s32 $0xFFFFFCE0  }
0x31: {  	_ =	swait.ge [sflag:s23], $0x320  }
0x32: {  	[sflag:s23] =	ssyncset.done $0x0  }
0x33: {  	s31 =	smov.u32 s17;
	s0 =	simm.s32 $0x0;
	[sflag:s23] =	ssyncadd.s32 $0xFFFFFCE0  }
0x34: {  	[tilespmem:s24], [sflag:$0x3] =	stream.indirect.gather [hbm4b:s4+s20], $0x10, s3, s20, $0xb8;
	[tilespmem:$0x1F880] =	vst v63  }
.LBB2_2:
0x35: {  	_ =	swait.ge [sflag:s25], $0x320  }
0x36: {  	[sflag:s25] =	ssyncset.done $0x0  }
0x37: {  	[sflag:s25] =	ssyncadd.s32 $0xFFFFFCE0  }
0x38: {  	_ =	swait.ge [sflag:s25], $0x320  }
0x39: {  	[sflag:s25] =	ssyncset.done $0x0  }
0x3a: {  	[sflag:s25] =	ssyncadd.s32 $0xFFFFFCE0  }
0x3b: {  	_ =	swait.ge [sflag:s26], $0x3200  }
0x3c: {  	[sflag:s26] =	ssyncset.done $0x0  }
0x3d: {  	[sflag:s26] =	ssyncadd.s32 $0xFFFFCE00  }
0x3e: {  	[tilespmem:s28], [sflag:$0x4] =	stream.indirect.gather [hbm4b:s4+s20], $0x10, s21, s20, $0xb8;
	[tilespmem:$0x1F880] =	vst v63  }
0x3f: {  	_ = 	snop  }
0x40: {  	[spmem:s2] =	stream.indirect.scatter.add.f32 [tilespmem:s24], [sflag:$0x5], $0x10, s20, s20, $0xb8;
	[tilespmem:$0x1F880] =	vst v63  }
0x41: {  	_ =	swait.ge [sflag:s19], $0x3200  }
0x42: {  	s1 =	sshrl.u32 s31, $0x3;
	[sflag:s19] =	ssyncset.done $0x0  }
0x43: {  	s7 =	sadd.s32 s5, s1;
	[sflag:s19] =	ssyncadd.s32 $0xFFFFCE00  }
0x44: {  	[tilespmem:s3], [sflag:$0x1] =	stream.linear.gather [hbm4b:s7+s3], $0x320, $0x38;
	[tilespmem:$0x1F880] =	vst v63  }
0x45: {  	s1 =	sadd.s32 s6, s1  }
0x46: {  	[tilespmem:s20], [sflag:$0x1] =	stream.linear.gather [hbm4b:s1+s3], $0x320, $0x38;
	[tilespmem:$0x1F880] =	vst v63  }
0x47: {  	_ =	swait.ge [sflag:s23], $0x320  }
0x48: {  	[sflag:s23] =	ssyncset.done $0x0  }
0x49: {  	[sflag:s23] =	ssyncadd.s32 $0xFFFFFCE0  }
0x4a: {  	_ =	swait.ge [sflag:s23], $0x320  }
0x4b: {  	[sflag:s23] =	ssyncset.done $0x0  }
0x4c: {  	[sflag:s23] =	ssyncadd.s32 $0xFFFFFCE0  }
0x4d: {  	_ =	swait.ge [sflag:s29], $0x3200  }
0x4e: {  	[sflag:s29] =	ssyncset.done $0x0  }
0x4f: {  	p0 =	seq.s32 s0, $0x2FA8;
	[sflag:s29] =	ssyncadd.s32 $0xFFFFCE00  }
0x50: {  	[tilespmem:s24], [sflag:$0x3] =	stream.indirect.gather [hbm4b:s4+s20], $0x10, s3, s20, $0xb8;
	[tilespmem:$0x1F880] =	vst v63  }
.Ltmp2:
0x51: {  	_ = 	snop;
	(pc) =	sbr.rel @p0 .LBB2_4-.Ltmp2, $4  }
0x52: {  	[spmem:s2] =	stream.indirect.scatter.add.f32 [tilespmem:s28], [sflag:$0x5], $0x10, s22, s20, $0xb8;
	[tilespmem:$0x1F880] =	vst v63  }
0x53: {  	_ =	swait.ge [sflag:s19], $0x3200  }
0x54: {  	[sflag:s19] =	ssyncset.done $0x0  }
0x55: {  	[sflag:s19] =	ssyncadd.s32 $0xFFFFCE00  }
.Ltmp3:
0x56: {  	(pc) =	sbr.rel .LBB2_2-.Ltmp3, $4  }
0x57: {  	s1 =	sadd.s32 s0, s16  }
0x58: {  	[tilespmem:s21], [sflag:$0x2] =	stream.linear.gather [hbm4b:s1+s3], $0x320, $0x38;
	[tilespmem:$0x1F880] =	vst v63  }
0x59: {  	s7 =	sadd.s32 s0, s15;
	s0 =	sadd.s32 $0xC8, s0;
	s31 =	sadd.s32 $0x640, s31  }
0x5a: {  	[tilespmem:s22], [sflag:$0x2] =	stream.linear.gather [hbm4b:s7+s3], $0x320, $0x38;
	[tilespmem:$0x1F880] =	vst v63  }
.LBB2_5:
0x5b: {  	_ =	sfence.sel $0x180000  }
0x5c: {  	[bflag:$0x0] =	sbarrier.arrive $0xFFFF  }
0x5d: {  	_ =	strace $0x9000004A  }
0x5e: {  	s0 =	stileid.u32;
	[bflag:$0x2] =	sbarrier.arrive $0xFFFF  }
0x5f: {  	p0 =	sne.s32 s0, $0x0;
	s0 =	rddreg [dreg:$0x2]  }
0x60: {  	s0 =	sadd.s32 @!p0 $0x100000, s0  }
0x61: {  	[sflag:s0] =	ssyncadd.tile.s32 @!p0 $0x1;
	_ =	shalt  }
.Lfunc_end2:
_tile_overlayer_lowered:
.L_overlay_start_2:
0x62: {  	(tag) =	ssettag $0x2  }
0x63: {  	s0 =	rddreg [dreg:$0x0];
	s2 =	stileid.u32  }
0x64: {  	s1 =	rddreg [dreg:$0x1];
	p0 =	sne.s32 s2, $0x0  }
0x65: {  	s3 =	rddreg [dreg:$0x2];
	[bflag:$0x3] =	sbarrier.arrive $0xFFFF;
	s2 =	simm.s32 @!p0 $0x1C05  }
0x66: {  	[timem:s3], [sflag:s2] =	dma.local @!p0 [hbm:s0], s1  }
0x67: {  	s0 =	simm.s32 @!p0 $0x5  }
0x68: {  	_ =	swait.ge @!p0 [sflag:s0], s1  }
0x69: {  	s1 =	ssub.s32 @!p0 $0x0, s1;
	[sflag:s0] =	ssyncset.done @!p0 $0x0  }
0x6a: {  	[sflag:s0] =	ssyncadd.s32 @!p0 s1  }
0x6b: {  	[bflag:$0x3] =	sbarrier.arrive $0xFFFF  }
0x6c: {  	_ =	shalt  }

// kernel: kernel.16.cloned.1.call-start
scs
__scs_entry_jumppad:
0x0: {  	(pc) =	sbr.rel $0x88, $3  }
0x1: {  	(tag) =	ssettag $0x0;
	lr =	simm.s32 $0x1  }
0x2: {  	[smem:$0x3F92] =	sst lr;
	_ =	strace $0xD0000000  }
0x3: {  	_ = 	snop  }
0x4: {  	_ = 	snop  }
0x5: {  	_ = 	snop  }
0x6: {  	_ = 	snop  }
0x7: {  	_ = 	snop  }
__scs_overlays_trampoline_lowered:
0x8: {  	[smem:$0x3FA1] =	sst s0  }
0x9: {  	[smem:$0x3FA2] =	sst s1  }
0xa: {  	[smem:$0x3FA3] =	sst s2  }
0xb: {  	[smem:$0x3FA4] =	sst s3  }
0xc: {  	[smem:$0x3FA5] =	sst s4  }
0xd: {  	[smem:$0x3FA6] =	sst s5  }
0xe: {  	[smem:$0x3FA7] =	sst s6  }
0xf: {  	[smem:$0x3FA8] =	sst s7  }
0x10: {  	[smem:$0x3FA9] =	sst s8  }
0x11: {  	[smem:$0x3FAA] =	sst s9;
	s0 =	simm.s32 @!p0 $0x0  }
0x12: {  	s1 =	sld [smem:$0x3F90];
	s0 =	simm.s32 @p0 $0x1  }
0x13: {  	[smem:$0x3FAB] =	sst s0;
	s0 =	simm.s32 @!p1 $0x0  }
0x14: {  	s2 =	sld [smem:$0x3F8F];
	s0 =	simm.s32 @p1 $0x1  }
0x15: {  	[smem:$0x3FAC] =	sst s0;
	s0 =	simm.s32 @!p2 $0x0  }
0x16: {  	s3 =	sld [smem:$0x3FDB];
	s0 =	simm.s32 @p2 $0x1  }
0x17: {  	s4 =	simm.s32 $0x1BF5;
	[smem:$0x3FAE] =	sst s0  }
0x18: {  	s0 =	sld [smem:$0x3F91];
	_ =	swait.ge [sflag:s4], $0x0  }
0x19: {  	s7 =	sld [smem:$0x3F92]  }
0x1a: {  	s8 =	sadd.s32 $0xFFFFE003, lr  }
0x1b: {  	s9 =	sadd.s32 $0xFFFFFEF7, lr;
	s5 =	simm.s32 $0xFFFFFFFF;
	p2 =	slt.u32 s8, $0xFFFFF086  }
0x1c: {  	p1 =	slt.u32 s9, $0xF7A;
	s5 =	simm.s32 @!p2 $0x0  }
0x1d: {  	s5 =	simm.s32 @p1 $0x1;
	p0 =	seq.s32 s7, s2  }
0x1e: {  	s7 =	smul.u32 @!p0 $0xF7A, s2;
	p2 =	seq.s32 @!p0 s5, $0x0  }
0x1f: {  	s9 =	smul.u32 $0xF7A, s1;
	s8 =	simm.s32 @!p0 $0x1BF5;
	p2 =	por !p2, p0  }
0x20: {  	[sflag:s8] =	ssyncset.s32 @!p0 $0xFFFFF086;
	s6 =	sadd.s32 @!p0 s3, s7;
	s7 =	simm.s32 @!p0 $0x108  }
0x21: {  	s3 =	sadd.s32 s3, s9;
	s6 =	sadd.s32 @!p0 $0x88, s6;
	s7 =	simm.s32 @p2 $0x1082  }
0x22: {  	[simem:s7], [sflag:s8] =	dma.local @!p0 [hbm:s6], $0xF7A  }
0x23: {  	s9 =	sor.u32 $0xD0000000, s2;
	s6 =	simm.s32 $0x108;
	_ =	swait.ge @!p0 [sflag:s8], $0x0  }
0x24: {  	s3 =	sadd.s32 $0x88, s3;
	s6 =	simm.s32 @!p1 $0x1082;
	[sflag:s4] =	ssyncset.s32 $0xFFFFF086  }
0x25: {  	[simem:s6], [sflag:s4] =	dma.local [hbm:s3], $0xF7A  }
0x26: {  	[smem:$0x3F92] =	sst s1;
	(tag) =	ssettag s2;
	_ =	strace s9  }
0x27: {  	s1 =	sld [smem:$0x3FA2]  }
0x28: {  	s2 =	sld [smem:$0x3FA3]  }
0x29: {  	s4 =	sld [smem:$0x3FA5]  }
0x2a: {  	p0 =	seq.s32 s5, $0x0;
	s5 =	sld [smem:$0x3FA6]  }
0x2b: {  	s6 =	sld [smem:$0x3FA7]  }
0x2c: {  	s7 =	sld [smem:$0x3FA8]  }
0x2d: {  	s3 =	simm.s32 $0x108;
	s8 =	sld [smem:$0x3FA9]  }
0x2e: {  	s3 =	simm.s32 @!p0 $0x1082;
	s9 =	sld [smem:$0x3FAA]  }
0x2f: {  	lr =	sadd.s32 s0, s3;
	s0 =	sld [smem:$0x3FA1]  }
0x30: {  	s3 =	sld [smem:$0x3FA4]  }
0x31: {  	[smem:$0x3FAD] =	sst s10  }
0x32: {  	s10 =	sld [smem:$0x3FAB];
	_ =	sdelay $0x3  }
0x33: {  	p0 =	seq.s32 s10, $0x1;
	s10 =	sld [smem:$0x3FAD];
	_ =	sdelay $0x3  }
0x34: {  	[smem:$0x3FAD] =	sst s10  }
0x35: {  	s10 =	sld [smem:$0x3FAC];
	_ =	sdelay $0x3  }
0x36: {  	p1 =	seq.s32 s10, $0x1;
	s10 =	sld [smem:$0x3FAD];
	_ =	sdelay $0x3  }
0x37: {  	[smem:$0x3FAD] =	sst s10  }
0x38: {  	s10 =	sld [smem:$0x3FAE]  }
0x39: {  	_ = 	snop;
	(pc) =	sbr.ind lr, $3  }
0x3a: {  	_ = 	snop  }
0x3b: {  	_ = 	snop  }
0x3c: {  	p2 =	seq.s32 s10, $0x1;
	s10 =	sld [smem:$0x3FAD]  }
0x3d: {  	_ =	shalt  }
0x3e: {  	_ =	shalt  }
0x3f: {  	_ =	shalt  }
0x40: {  	_ =	shalt  }
0x41: {  	_ =	shalt  }
0x42: {  	_ =	shalt  }
0x43: {  	_ =	shalt  }
0x44: {  	_ =	shalt  }
0x45: {  	_ =	shalt  }
0x46: {  	_ =	shalt  }
0x47: {  	_ =	shalt  }
0x48: {  	_ =	shalt  }
0x49: {  	_ =	shalt  }
0x4a: {  	_ =	shalt  }
0x4b: {  	_ =	shalt  }
0x4c: {  	_ =	shalt  }
0x4d: {  	_ =	shalt  }
0x4e: {  	_ =	shalt  }
0x4f: {  	_ =	shalt  }
0x50: {  	_ =	shalt  }
0x51: {  	_ =	shalt  }
0x52: {  	_ =	shalt  }
0x53: {  	_ =	shalt  }
0x54: {  	_ =	shalt  }
0x55: {  	_ =	shalt  }
0x56: {  	_ =	shalt  }
0x57: {  	_ =	shalt  }
0x58: {  	_ =	shalt  }
0x59: {  	_ =	shalt  }
0x5a: {  	_ =	shalt  }
0x5b: {  	_ =	shalt  }
0x5c: {  	_ =	shalt  }
0x5d: {  	_ =	shalt  }
0x5e: {  	_ =	shalt  }
0x5f: {  	_ =	shalt  }
0x60: {  	_ =	shalt  }
0x61: {  	_ =	shalt  }
0x62: {  	_ =	shalt  }
0x63: {  	_ =	shalt  }
0x64: {  	_ =	shalt  }
0x65: {  	_ =	shalt  }
0x66: {  	_ =	shalt  }
0x67: {  	_ =	shalt  }
0x68: {  	_ =	shalt  }
0x69: {  	_ =	shalt  }
0x6a: {  	_ =	shalt  }
0x6b: {  	_ =	shalt  }
0x6c: {  	_ =	shalt  }
0x6d: {  	_ =	shalt  }
0x6e: {  	_ =	shalt  }
0x6f: {  	_ =	shalt  }
0x70: {  	_ =	shalt  }
0x71: {  	_ =	shalt  }
0x72: {  	_ =	shalt  }
0x73: {  	_ =	shalt  }
0x74: {  	_ =	shalt  }
0x75: {  	_ =	shalt  }
0x76: {  	_ =	shalt  }
0x77: {  	_ =	shalt  }
0x78: {  	_ =	shalt  }
0x79: {  	_ =	shalt  }
0x7a: {  	_ =	shalt  }
0x7b: {  	_ =	shalt  }
0x7c: {  	_ =	shalt  }
0x7d: {  	_ =	shalt  }
0x7e: {  	_ =	shalt  }
0x7f: {  	_ =	shalt  }
0x80: {  	_ =	shalt  }
0x81: {  	_ =	shalt  }
0x82: {  	_ =	shalt  }
0x83: {  	_ =	shalt  }
0x84: {  	_ =	shalt  }
0x85: {  	_ =	shalt  }
0x86: {  	_ =	shalt  }
0x87: {  	_ =	shalt  }
.Lfunc_end0:
.L_simem_size_0:
called_computation.2_lowered:
.L_overlay_start_0:
0x88: {  	s2 =	sld [smem:$0x3FD9]  }
0x89: {  	s3 =	sld [smem:$0x3FFE];
	_ =	sdelay $0x1  }
0x8a: {  	s1 =	srdreg.scid  }
0x8b: {  	s0 =	sand.u32 $0x1, s1  }
0x8c: {  	s16 =	sshll.u32 s0, $0xA;
	s2 =	sadd.s32 s3, s2  }
0x8d: {  	s2 =	sadd.s32 s2, s16  }
0x8e: {  	[smem:$0x3FB9] =	sst s2  }
0x8f: {  	_ = 	snop  }
0x90: {  	(tm) =	ssettm $0x1  }
0x91: {  	s17 =	sld [smem:$0x3FFB];
	_ =	sdelay $0x3  }
0x92: {  	_ =	strace s17  }
0x93: {  	s2 =	sld [smem:$0x3FFC];
	_ =	sdelay $0x3  }
0x94: {  	_ =	strace s2  }
0x95: {  	s2 =	sld [smem:$0x3FFD];
	_ =	sdelay $0x3  }
0x96: {  	_ =	strace s2  }
0x97: {  	_ =	strace $0x8FFFFFFF  }
0x98: {  	s18 =	sld [smem:$0x3FDB];
	_ =	sdelay $0x1  }
0x99: {  	s19 =	simm.s32 $_scs_section_size  }
0x9a: {  	s4 =	simm.s32 $_size__tile_overlayer_lowered;
	s5 =	simm.s32 $_tile_overlayer_lowered  }
0x9b: {  	s22 =	simm.s32 $0x1BFF;
	s21 =	sshll.u32 s5, $0x1;
	s2 =	sadd.s32 s19, s18  }
0x9c: {  	s6 =	simm.s32 $0x0;
	s20 =	sshll.u32 s4, $0x1;
	s4 =	sadd.s32 s21, s2  }
0x9d: {  	[timem:s6], [sflag:s22] =	dma.local [hbm:s4], s20  }
0x9e: {  	_ =	swait.ge [sflag:s22], s20  }
0x9f: {  	s3 =	ssub.s32 $0x0, s20;
	[sflag:s22] =	ssyncset.done $0x0  }
0xa0: {  	[sflag:s22] =	ssyncadd.s32 s3;
	_ =	sdelay $0x1  }
0xa1: {  	s23 =	simm.s32 $0x1B8B  }
0xa2: {  	_ =	swait.ge [sflag:s23], $0x1  }
0xa3: {  	[sflag:s23] =	ssyncset.done $0x0  }
0xa4: {  	s25 =	simm.s32 $0x1B8E;
	s24 =	sld [smem:$0x3FFE];
	[sflag:s23] =	ssyncadd.s32 $0xFFFFFFFF  }
0xa5: {  	s26 =	simm.s32 $execute0_lowered;
	[smem:$0x3FD2] =	sst s25  }
0xa6: {  	s4 =	sshll.u32 s26, $0x1;
	_ =	strace $0x8000004C;
	[dreg:$0x1] =	wrdreg $0xFFFFFFFF  }
0xa7: {  	s28 =	simm.s32 $_size_execute0_lowered;
	s2 =	sadd.s32 s2, s4;
	[dreg:$0x0] =	wrdreg $0x0  }
0xa8: {  	s4 =	sshll.u32 s28, $0x1;
	[dreg:$0x2] =	wrdreg s2  }
0xa9: {  	[dreg:$0x3] =	wrdreg s4  }
0xaa: {  	[dreg:$0x4] =	wrdreg $0xC0  }
0xab: {  	_ =	task [dreg:s6], $0x5FFFF  }
0xac: {  	[dreg:$0x1] =	wrdreg $0xFFFFFFFF  }
0xad: {  	[dreg:$0x0] =	wrdreg $0x60  }
0xae: {  	[dreg:$0x2] =	wrdreg s24  }
0xaf: {  	[dreg:$0x3] =	wrdreg $0x9C400  }
0xb0: {  	[dreg:$0x4] =	wrdreg $0x9  }
0xb1: {  	_ =	task.clear_ibuf [dreg:s6], $0x5FFFF;
	_ =	strace $0x9000004C  }
0xb2: {  	s29 =	simm.s32 $0x9;
	_ =	strace $0x8000004E  }
0xb3: {  	_ =	swait.ge [sflag:s29], $0x1  }
0xb4: {  	[sflag:s29] =	ssyncadd.s32 $0xFFFFFFFF  }
0xb5: {  	_ =	strace $0x9000004E  }
0xb6: {  	_ =	sfence  }
0xb7: {  	s30 =	sld [smem:$0x0];
	_ =	sdelay $0x2  }
0xb8: {  	s31 =	sshll.u32 s1, $0xD;
	s1 =	sshrl.u32 s1, $0x2  }
0xb9: {  	s3 =	sand.u32 $0x4000, s31;
	s1 =	sadd.s32 s1, s30  }
0xba: {  	s0 =	sor.u32 s3, s0;
	s1 =	sshll.u32 s1, $0x11  }
0xbb: {  	s0 =	sor.u32 s1, s0  }
0xbc: {  	s0 =	sadd.s32 $0x8F2B, s0  }
0xbd: {  	[sflag:s0] =	ssyncadd.remote.s32 $0x1  }
0xbe: {  	_ =	sfence.sel $0xFFFF  }
0xbf: {  	[dreg:$0x0] =	wrdreg $0xFFFFFFFF;
	(pc) =	sbr.abs _section_cstart, $3  }
0xc0: {  	[dreg:$0x1] =	wrdreg $0xFFFFFFFF  }
0xc1: {  	_ =	task.clear_ibuf [dreg:s6], $0x2FFFF;
	_ =	strace $0x9FFFFFFF  }
0xc2: {  	(tm) =	ssettm $0x7FFFFFFF  }
0xc3: {  	_ =	shalt  }
tec
execute0_lowered:
.L_overlay_start_1:
0x0: {  	(tag) =	ssettag $0x1  }
0x1: {  	s0 =	rddreg [dreg:$0x0]  }
0x2: {  	s1 =	rddreg [dreg:$0x1];
	s3 =	simm.s32 $0x0;
	s12 =	stileid.u32  }
0x3: {  	s7 =	srdreg.scid;
	s19 =	simm.s32 $0x5;
	s28 =	simm.s32 $0x5DC0  }
0x4: {  	s29 =	simm.s32 $0x4;
	s30 =	simm.s32 $0x0;
	[smem:$0x7FF] =	sst s3  }
0x5: {  	s4 =	sadd.s32 $0x24E600, s0;
	s2 =	smul.u32 $0xC400, s12;
	s5 =	sadd.s32 $0x2E00, s0  }
0x6: {  	s6 =	sadd.s32 $0x64A00, s0;
	s9 =	smul.u32 $0x1880, s12;
	s10 =	sand.u32 $0x1, s7  }
0x7: {  	s11 =	sshll.u32 s12, $0x1;
	s24 =	sshll.u32 s12, $0x6;
	s12 =	smul.u32 $0x30D40, s12  }
0x8: {  	_ =	strace $0x8000004D;
	s21 =	ssub.s32 $0x2, s10;
	s13 =	smul.u32 $0x186A0, s10  }
0x9: {  	s11 =	sor.u32 s10, s11;
	s16 =	smul.u32 $0x18800, s10;
	s8 =	sshrl.u32 s2, $0x3  }
0xa: {  	s22 =	sshrl.u32 s21, $0x1;
	s2 =	sadd.s32 s2, s1;
	s23 =	smul.u32 $0x186A0, s11  }
0xb: {  	s20 =	sadd.s32 s8, s0;
	s0 =	sadd.s32 s9, s0;
	s14 =	ssub.s32 s21, s22  }
0xc: {  	s8 =	sor.u32 $0x1C05, s24;
	s17 =	sadd.s32 s13, s12;
	s18 =	sshrl.u32 s2, $0x3  }
0xd: {  	s21 =	simm.s32 $0xFA0;
	s22 =	simm.s32 $0x1770;
	s24 =	simm.s32 $0x1F40  }
0xe: {  	s7 =	sadd.s32 $0xC6600, s20;
	s11 =	sshrl.u32 s23, $0x3;
	s0 =	sadd.s32 s16, s0  }
0xf: {  	s26 =	sadd.s32 $0x1770, s17;
	s14 =	smax.u32 s14, $0x1;
	s17 =	sadd.s32 $0xFA0, s17  }
0x10: {  	s20 =	simm.s32 $0x7D0;
	s23 =	simm.s32 $0x1;
	[dreg:$0x3] =	wrdreg s7  }
0x11: {  	s25 =	sadd.s32 s5, s11;
	s15 =	sadd.s32 $0xFA, s11;
	s10 =	sadd.s32 s6, s11  }
0x12: {  	s13 =	sadd.s32 $0xDEE00, s0;
	s31 =	sshrl.u32 s26, $0x3;
	s26 =	simm.s32 $0x3  }
0x13: {  	[dreg:$0x4] =	wrdreg s25;
	s11 =	sadd.s32 s5, s15;
	s12 =	sadd.s32 s6, s15  }
0x14: {  	s15 =	sadd.s32 s31, s6;
	s16 =	sadd.s32 s31, s5;
	s25 =	simm.s32 $0x2  }
.LBB2_1:
0x15: {  	s0 =	rddreg [dreg:$0x3]  }
0x16: {  	[spmem:s18], [sflag:s8] =	dma.local [hbm:s0], $0x1880  }
0x17: {  	_ =	swait.ge [sflag:s19], $0x1880  }
0x18: {  	[sflag:s19] =	ssyncset.done $0x0  }
0x19: {  	[sflag:s19] =	ssyncadd.s32 $0xFFFFE780  }
0x1a: {  	[bflag:$0x0] =	sbarrier.arrive $0xFFFF  }
0x1b: {  	s2 =	rddreg [dreg:$0x4]  }
0x1c: {  	[tilespmem:s3], [sflag:$0x1] =	stream.linear.gather [hbm4b:s2+s3], $0x7D0, $0x38;
	[tilespmem:$0x16040] =	vst v63  }
0x1d: {  	_ = 	snop  }
0x1e: {  	[tilespmem:s20], [sflag:$0x1] =	stream.linear.gather [hbm4b:s10+s3], $0x7D0, $0x38;
	[tilespmem:$0x16040] =	vst v63  }
0x1f: {  	_ = 	snop  }
0x20: {  	[tilespmem:s21], [sflag:$0x2] =	stream.linear.gather [hbm4b:s11+s3], $0x7D0, $0x38;
	[tilespmem:$0x16040] =	vst v63  }
0x21: {  	_ = 	snop  }
0x22: {  	[tilespmem:s22], [sflag:$0x2] =	stream.linear.gather [hbm4b:s12+s3], $0x7D0, $0x38;
	[tilespmem:$0x16040] =	vst v63  }
0x23: {  	_ =	swait.ge [sflag:s23], $0x7D0  }
0x24: {  	[sflag:s23] =	ssyncset.done $0x0  }
0x25: {  	[sflag:s23] =	ssyncadd.s32 $0xFFFFF830  }
0x26: {  	_ =	swait.ge [sflag:s23], $0x7D0  }
0x27: {  	[sflag:s23] =	ssyncset.done $0x0  }
0x28: {  	[sflag:s23] =	ssyncadd.s32 $0xFFFFF830  }
0x29: {  	[tilespmem:s24], [sflag:$0x3] =	stream.indirect.gather [hbm4b:s4+s20], $0x8, s3, s20, $0xb8;
	[tilespmem:$0x16040] =	vst v63  }
0x2a: {  	_ =	swait.ge [sflag:s25], $0x7D0  }
0x2b: {  	[sflag:s25] =	ssyncset.done $0x0  }
0x2c: {  	[sflag:s25] =	ssyncadd.s32 $0xFFFFF830  }
0x2d: {  	_ =	swait.ge [sflag:s25], $0x7D0  }
0x2e: {  	[sflag:s25] =	ssyncset.done $0x0  }
0x2f: {  	[sflag:s25] =	ssyncadd.s32 $0xFFFFF830  }
0x30: {  	_ =	swait.ge [sflag:s26], $0x3E80  }
0x31: {  	[sflag:s26] =	ssyncset.done $0x0  }
0x32: {  	[sflag:s26] =	ssyncadd.s32 $0xFFFFC180  }
0x33: {  	[tilespmem:s28], [sflag:$0x4] =	stream.indirect.gather [hbm4b:s4+s20], $0x8, s21, s20, $0xb8;
	[tilespmem:$0x16040] =	vst v63  }
0x34: {  	_ = 	snop  }
0x35: {  	[spmem:s1] =	stream.indirect.scatter.add.f32 [tilespmem:s24], [sflag:$0x5], $0x8, s20, s20, $0xb8;
	[tilespmem:$0x16040] =	vst v63  }
0x36: {  	_ =	swait.ge [sflag:s19], $0x3E80  }
0x37: {  	s7 =	sshrl.u32 s17, $0x3;
	[sflag:s19] =	ssyncset.done $0x0  }
0x38: {  	s2 =	sadd.s32 s5, s7;
	[sflag:s19] =	ssyncadd.s32 $0xFFFFC180  }
0x39: {  	[tilespmem:s3], [sflag:$0x1] =	stream.linear.gather [hbm4b:s2+s3], $0x7D0, $0x38;
	[tilespmem:$0x16040] =	vst v63  }
0x3a: {  	s0 =	sadd.s32 s6, s7  }
0x3b: {  	[tilespmem:s20], [sflag:$0x1] =	stream.linear.gather [hbm4b:s0+s3], $0x7D0, $0x38;
	[tilespmem:$0x16040] =	vst v63  }
0x3c: {  	_ =	swait.ge [sflag:s23], $0x7D0  }
0x3d: {  	[sflag:s23] =	ssyncset.done $0x0  }
0x3e: {  	[sflag:s23] =	ssyncadd.s32 $0xFFFFF830  }
0x3f: {  	_ =	swait.ge [sflag:s23], $0x7D0  }
0x40: {  	[sflag:s23] =	ssyncset.done $0x0  }
0x41: {  	[sflag:s23] =	ssyncadd.s32 $0xFFFFF830  }
0x42: {  	_ =	swait.ge [sflag:s29], $0x3E80  }
0x43: {  	[sflag:s29] =	ssyncset.done $0x0  }
0x44: {  	[sflag:s29] =	ssyncadd.s32 $0xFFFFC180  }
0x45: {  	[tilespmem:s24], [sflag:$0x3] =	stream.indirect.gather [hbm4b:s4+s20], $0x8, s3, s20, $0xb8;
	[tilespmem:$0x16040] =	vst v63  }
0x46: {  	_ = 	snop  }
0x47: {  	[spmem:s1] =	stream.indirect.scatter.add.f32 [tilespmem:s28], [sflag:$0x5], $0x8, s22, s20, $0xb8;
	[tilespmem:$0x16040] =	vst v63  }
0x48: {  	_ =	swait.ge [sflag:s19], $0x3E80  }
0x49: {  	s9 =	sadd.s32 $0x0, s16;
	s31 =	simm.s32 $0x1F4;
	[sflag:s19] =	ssyncset.done $0x0  }
0x4a: {  	s2 =	sadd.s32 $0x0, s15;
	s0 =	sadd.s32 $0xFA0, s17;
	[sflag:s19] =	ssyncadd.s32 $0xFFFFC180  }
0x4b: {  	[tilespmem:s21], [sflag:$0x2] =	stream.linear.gather [hbm4b:s9+s3], $0x7D0, $0x38;
	[tilespmem:$0x16040] =	vst v63  }
.LBB2_2:
0x4c: {  	[tilespmem:s22], [sflag:$0x2] =	stream.linear.gather [hbm4b:s2+s3], $0x7D0, $0x38;
	[tilespmem:$0x16040] =	vst v63  }
0x4d: {  	s2 =	smov.u32 s31  }
0x4e: {  	p0 =	sne.s32 s31, $0x2CEC;
	s31 =	sadd.s32 $0x1F4, s31;
	_ =	swait.ge [sflag:s25], $0x7D0  }
0x4f: {  	[sflag:s25] =	ssyncset.done $0x0  }
0x50: {  	[sflag:s25] =	ssyncadd.s32 $0xFFFFF830  }
0x51: {  	_ =	swait.ge [sflag:s25], $0x7D0  }
0x52: {  	[sflag:s25] =	ssyncset.done $0x0  }
0x53: {  	[sflag:s25] =	ssyncadd.s32 $0xFFFFF830  }
0x54: {  	_ =	swait.ge [sflag:s26], $0x3E80  }
0x55: {  	[sflag:s26] =	ssyncset.done $0x0  }
0x56: {  	[sflag:s26] =	ssyncadd.s32 $0xFFFFC180  }
0x57: {  	[tilespmem:s28], [sflag:$0x4] =	stream.indirect.gather [hbm4b:s4+s20], $0x8, s21, s20, $0xb8;
	[tilespmem:$0x16040] =	vst v63  }
0x58: {  	_ = 	snop  }
0x59: {  	[spmem:s1] =	stream.indirect.scatter.add.f32 [tilespmem:s24], [sflag:$0x5], $0x8, s20, s20, $0xb8;
	[tilespmem:$0x16040] =	vst v63  }
0x5a: {  	_ =	swait.ge [sflag:s19], $0x3E80  }
0x5b: {  	s7 =	sshrl.u32 s0, $0x3;
	[sflag:s19] =	ssyncset.done $0x0  }
0x5c: {  	s9 =	sadd.s32 s5, s7;
	[sflag:s19] =	ssyncadd.s32 $0xFFFFC180  }
0x5d: {  	[tilespmem:s3], [sflag:$0x1] =	stream.linear.gather [hbm4b:s9+s3], $0x7D0, $0x38;
	[tilespmem:$0x16040] =	vst v63  }
0x5e: {  	s7 =	sadd.s32 s6, s7  }
0x5f: {  	[tilespmem:s20], [sflag:$0x1] =	stream.linear.gather [hbm4b:s7+s3], $0x7D0, $0x38;
	[tilespmem:$0x16040] =	vst v63  }
0x60: {  	_ =	swait.ge [sflag:s23], $0x7D0  }
0x61: {  	[sflag:s23] =	ssyncset.done $0x0  }
0x62: {  	[sflag:s23] =	ssyncadd.s32 $0xFFFFF830  }
0x63: {  	_ =	swait.ge [sflag:s23], $0x7D0  }
0x64: {  	[sflag:s23] =	ssyncset.done $0x0  }
0x65: {  	[sflag:s23] =	ssyncadd.s32 $0xFFFFF830  }
0x66: {  	_ =	swait.ge [sflag:s29], $0x3E80  }
0x67: {  	[sflag:s29] =	ssyncset.done $0x0  }
0x68: {  	[sflag:s29] =	ssyncadd.s32 $0xFFFFC180  }
0x69: {  	[tilespmem:s24], [sflag:$0x3] =	stream.indirect.gather [hbm4b:s4+s20], $0x8, s3, s20, $0xb8;
	[tilespmem:$0x16040] =	vst v63  }
0x6a: {  	_ = 	snop  }
0x6b: {  	[spmem:s1] =	stream.indirect.scatter.add.f32 [tilespmem:s28], [sflag:$0x5], $0x8, s22, s20, $0xb8;
	[tilespmem:$0x16040] =	vst v63  }
.Ltmp0:
0x6c: {  	_ =	swait.ge [sflag:s19], $0x3E80;
	(pc) =	sbr.rel @p0 .LBB2_2-.Ltmp0, $4  }
0x6d: {  	[sflag:s19] =	ssyncset.done $0x0  }
0x6e: {  	s7 =	sadd.s32 s2, s16;
	[sflag:s19] =	ssyncadd.s32 $0xFFFFC180  }
0x6f: {  	[tilespmem:s21], [sflag:$0x2] =	stream.linear.gather [hbm4b:s7+s3], $0x7D0, $0x38;
	[tilespmem:$0x16040] =	vst v63  }
0x70: {  	s0 =	sadd.s32 $0xFA0, s0;
	s2 =	sadd.s32 s2, s15  }
0x71: {  	[tilespmem:s22], [sflag:$0x2] =	stream.linear.gather [hbm4b:s2+s3], $0x7D0, $0x38;
	[tilespmem:$0x16040] =	vst v63  }
0x72: {  	_ =	swait.ge [sflag:s25], $0x7D0  }
0x73: {  	[sflag:s25] =	ssyncset.done $0x0  }
0x74: {  	[sflag:s25] =	ssyncadd.s32 $0xFFFFF830  }
0x75: {  	_ =	swait.ge [sflag:s25], $0x7D0  }
0x76: {  	[sflag:s25] =	ssyncset.done $0x0  }
0x77: {  	[sflag:s25] =	ssyncadd.s32 $0xFFFFF830  }
0x78: {  	_ =	swait.ge [sflag:s26], $0x3E80  }
0x79: {  	[sflag:s26] =	ssyncset.done $0x0  }
0x7a: {  	[sflag:s26] =	ssyncadd.s32 $0xFFFFC180  }
0x7b: {  	[tilespmem:s28], [sflag:$0x4] =	stream.indirect.gather [hbm4b:s4+s20], $0x8, s21, s20, $0xb8;
	[tilespmem:$0x16040] =	vst v63  }
0x7c: {  	_ = 	snop  }
0x7d: {  	[spmem:s1] =	stream.indirect.scatter.add.f32 [tilespmem:s24], [sflag:$0x5], $0x8, s20, s20, $0xb8;
	[tilespmem:$0x16040] =	vst v63  }
0x7e: {  	_ =	swait.ge [sflag:s19], $0x3E80  }
0x7f: {  	[sflag:s19] =	ssyncset.done $0x0  }
0x80: {  	[sflag:s19] =	ssyncadd.s32 $0xFFFFC180  }
0x81: {  	_ =	swait.ge [sflag:s29], $0x3E80  }
0x82: {  	[sflag:s29] =	ssyncset.done $0x0  }
0x83: {  	[sflag:s29] =	ssyncadd.s32 $0xFFFFC180  }
0x84: {  	[spmem:s1] =	stream.indirect.scatter.add.f32 [tilespmem:s28], [sflag:$0x5], $0x8, s22, s20, $0xb8;
	[tilespmem:$0x16040] =	vst v63  }
0x85: {  	_ =	swait.ge [sflag:s19], $0x3E80  }
0x86: {  	s30 =	sadd.s32 $0x1, s30;
	[sflag:s19] =	ssyncset.done $0x0  }
0x87: {  	p0 =	sne.s32 s30, s14;
	[sflag:s19] =	ssyncadd.s32 $0xFFFFC180  }
.Ltmp1:
0x88: {  	[bflag:$0x0] =	sbarrier.arrive $0xFFFF;
	(pc) =	sbr.rel @p0 .LBB2_1-.Ltmp1, $4  }
0x89: {  	[hbm:s13], [sflag:s8] =	dma.local [spmem:s18], $0x1880  }
0x8a: {  	_ =	swait.ge [sflag:s19], $0x1880  }
0x8b: {  	[sflag:s19] =	ssyncset.done $0x0  }
0x8c: {  	[sflag:s19] =	ssyncadd.s32 $0xFFFFE780  }
0x8d: {  	_ =	sfence.sel $0x180000  }
0x8e: {  	[bflag:$0x0] =	sbarrier.arrive $0xFFFF  }
0x8f: {  	_ =	strace $0x9000004D  }
0x90: {  	s0 =	stileid.u32;
	[bflag:$0x2] =	sbarrier.arrive $0xFFFF  }
0x91: {  	p0 =	sne.s32 s0, $0x0;
	s0 =	rddreg [dreg:$0x2]  }
0x92: {  	s0 =	sadd.s32 @!p0 $0x100000, s0  }
0x93: {  	[sflag:s0] =	ssyncadd.tile.s32 @!p0 $0x1;
	_ =	shalt  }
.Lfunc_end2:
_tile_overlayer_lowered:
.L_overlay_start_2:
0x94: {  	(tag) =	ssettag $0x2  }
0x95: {  	s0 =	rddreg [dreg:$0x0];
	s2 =	stileid.u32  }
0x96: {  	s1 =	rddreg [dreg:$0x1];
	p0 =	sne.s32 s2, $0x0  }
0x97: {  	s3 =	rddreg [dreg:$0x2];
	[bflag:$0x3] =	sbarrier.arrive $0xFFFF;
	s2 =	simm.s32 @!p0 $0x1C05  }
0x98: {  	[timem:s3], [sflag:s2] =	dma.local @!p0 [hbm:s0], s1  }
0x99: {  	s0 =	simm.s32 @!p0 $0x5  }
0x9a: {  	_ =	swait.ge @!p0 [sflag:s0], s1  }
0x9b: {  	s1 =	ssub.s32 @!p0 $0x0, s1;
	[sflag:s0] =	ssyncset.done @!p0 $0x0  }
0x9c: {  	[sflag:s0] =	ssyncadd.s32 @!p0 s1  }
0x9d: {  	[bflag:$0x3] =	sbarrier.arrive $0xFFFF  }
0x9e: {  	_ =	shalt  }

// kernel: kernel.19.cloned.1.call-start
scs
__scs_entry_jumppad:
0x0: {  	(pc) =	sbr.rel $0x88, $3  }
0x1: {  	(tag) =	ssettag $0x0;
	lr =	simm.s32 $0x1  }
0x2: {  	[smem:$0x3F92] =	sst lr;
	_ =	strace $0xD0000000  }
0x3: {  	_ = 	snop  }
0x4: {  	_ = 	snop  }
0x5: {  	_ = 	snop  }
0x6: {  	_ = 	snop  }
0x7: {  	_ = 	snop  }
__scs_overlays_trampoline_lowered:
0x8: {  	[smem:$0x3FA1] =	sst s0  }
0x9: {  	[smem:$0x3FA2] =	sst s1  }
0xa: {  	[smem:$0x3FA3] =	sst s2  }
0xb: {  	[smem:$0x3FA4] =	sst s3  }
0xc: {  	[smem:$0x3FA5] =	sst s4  }
0xd: {  	[smem:$0x3FA6] =	sst s5  }
0xe: {  	[smem:$0x3FA7] =	sst s6  }
0xf: {  	[smem:$0x3FA8] =	sst s7  }
0x10: {  	[smem:$0x3FA9] =	sst s8  }
0x11: {  	[smem:$0x3FAA] =	sst s9;
	s0 =	simm.s32 @!p0 $0x0  }
0x12: {  	s1 =	sld [smem:$0x3F90];
	s0 =	simm.s32 @p0 $0x1  }
0x13: {  	[smem:$0x3FAB] =	sst s0;
	s0 =	simm.s32 @!p1 $0x0  }
0x14: {  	s2 =	sld [smem:$0x3F8F];
	s0 =	simm.s32 @p1 $0x1  }
0x15: {  	[smem:$0x3FAC] =	sst s0;
	s0 =	simm.s32 @!p2 $0x0  }
0x16: {  	s3 =	sld [smem:$0x3FDB];
	s0 =	simm.s32 @p2 $0x1  }
0x17: {  	s4 =	simm.s32 $0x1BF5;
	[smem:$0x3FAE] =	sst s0  }
0x18: {  	s0 =	sld [smem:$0x3F91];
	_ =	swait.ge [sflag:s4], $0x0  }
0x19: {  	s7 =	sld [smem:$0x3F92]  }
0x1a: {  	s8 =	sadd.s32 $0xFFFFE003, lr  }
0x1b: {  	s9 =	sadd.s32 $0xFFFFFEF7, lr;
	s5 =	simm.s32 $0xFFFFFFFF;
	p2 =	slt.u32 s8, $0xFFFFF086  }
0x1c: {  	p1 =	slt.u32 s9, $0xF7A;
	s5 =	simm.s32 @!p2 $0x0  }
0x1d: {  	s5 =	simm.s32 @p1 $0x1;
	p0 =	seq.s32 s7, s2  }
0x1e: {  	s7 =	smul.u32 @!p0 $0xF7A, s2;
	p2 =	seq.s32 @!p0 s5, $0x0  }
0x1f: {  	s9 =	smul.u32 $0xF7A, s1;
	s8 =	simm.s32 @!p0 $0x1BF5;
	p2 =	por !p2, p0  }
0x20: {  	[sflag:s8] =	ssyncset.s32 @!p0 $0xFFFFF086;
	s6 =	sadd.s32 @!p0 s3, s7;
	s7 =	simm.s32 @!p0 $0x108  }
0x21: {  	s3 =	sadd.s32 s3, s9;
	s6 =	sadd.s32 @!p0 $0x88, s6;
	s7 =	simm.s32 @p2 $0x1082  }
0x22: {  	[simem:s7], [sflag:s8] =	dma.local @!p0 [hbm:s6], $0xF7A  }
0x23: {  	s9 =	sor.u32 $0xD0000000, s2;
	s6 =	simm.s32 $0x108;
	_ =	swait.ge @!p0 [sflag:s8], $0x0  }
0x24: {  	s3 =	sadd.s32 $0x88, s3;
	s6 =	simm.s32 @!p1 $0x1082;
	[sflag:s4] =	ssyncset.s32 $0xFFFFF086  }
0x25: {  	[simem:s6], [sflag:s4] =	dma.local [hbm:s3], $0xF7A  }
0x26: {  	[smem:$0x3F92] =	sst s1;
	(tag) =	ssettag s2;
	_ =	strace s9  }
0x27: {  	s1 =	sld [smem:$0x3FA2]  }
0x28: {  	s2 =	sld [smem:$0x3FA3]  }
0x29: {  	s4 =	sld [smem:$0x3FA5]  }
0x2a: {  	p0 =	seq.s32 s5, $0x0;
	s5 =	sld [smem:$0x3FA6]  }
0x2b: {  	s6 =	sld [smem:$0x3FA7]  }
0x2c: {  	s7 =	sld [smem:$0x3FA8]  }
0x2d: {  	s3 =	simm.s32 $0x108;
	s8 =	sld [smem:$0x3FA9]  }
0x2e: {  	s3 =	simm.s32 @!p0 $0x1082;
	s9 =	sld [smem:$0x3FAA]  }
0x2f: {  	lr =	sadd.s32 s0, s3;
	s0 =	sld [smem:$0x3FA1]  }
0x30: {  	s3 =	sld [smem:$0x3FA4]  }
0x31: {  	[smem:$0x3FAD] =	sst s10  }
0x32: {  	s10 =	sld [smem:$0x3FAB];
	_ =	sdelay $0x3  }
0x33: {  	p0 =	seq.s32 s10, $0x1;
	s10 =	sld [smem:$0x3FAD];
	_ =	sdelay $0x3  }
0x34: {  	[smem:$0x3FAD] =	sst s10  }
0x35: {  	s10 =	sld [smem:$0x3FAC];
	_ =	sdelay $0x3  }
0x36: {  	p1 =	seq.s32 s10, $0x1;
	s10 =	sld [smem:$0x3FAD];
	_ =	sdelay $0x3  }
0x37: {  	[smem:$0x3FAD] =	sst s10  }
0x38: {  	s10 =	sld [smem:$0x3FAE]  }
0x39: {  	_ = 	snop;
	(pc) =	sbr.ind lr, $3  }
0x3a: {  	_ = 	snop  }
0x3b: {  	_ = 	snop  }
0x3c: {  	p2 =	seq.s32 s10, $0x1;
	s10 =	sld [smem:$0x3FAD]  }
0x3d: {  	_ =	shalt  }
0x3e: {  	_ =	shalt  }
0x3f: {  	_ =	shalt  }
0x40: {  	_ =	shalt  }
0x41: {  	_ =	shalt  }
0x42: {  	_ =	shalt  }
0x43: {  	_ =	shalt  }
0x44: {  	_ =	shalt  }
0x45: {  	_ =	shalt  }
0x46: {  	_ =	shalt  }
0x47: {  	_ =	shalt  }
0x48: {  	_ =	shalt  }
0x49: {  	_ =	shalt  }
0x4a: {  	_ =	shalt  }
0x4b: {  	_ =	shalt  }
0x4c: {  	_ =	shalt  }
0x4d: {  	_ =	shalt  }
0x4e: {  	_ =	shalt  }
0x4f: {  	_ =	shalt  }
0x50: {  	_ =	shalt  }
0x51: {  	_ =	shalt  }
0x52: {  	_ =	shalt  }
0x53: {  	_ =	shalt  }
0x54: {  	_ =	shalt  }
0x55: {  	_ =	shalt  }
0x56: {  	_ =	shalt  }
0x57: {  	_ =	shalt  }
0x58: {  	_ =	shalt  }
0x59: {  	_ =	shalt  }
0x5a: {  	_ =	shalt  }
0x5b: {  	_ =	shalt  }
0x5c: {  	_ =	shalt  }
0x5d: {  	_ =	shalt  }
0x5e: {  	_ =	shalt  }
0x5f: {  	_ =	shalt  }
0x60: {  	_ =	shalt  }
0x61: {  	_ =	shalt  }
0x62: {  	_ =	shalt  }
0x63: {  	_ =	shalt  }
0x64: {  	_ =	shalt  }
0x65: {  	_ =	shalt  }
0x66: {  	_ =	shalt  }
0x67: {  	_ =	shalt  }
0x68: {  	_ =	shalt  }
0x69: {  	_ =	shalt  }
0x6a: {  	_ =	shalt  }
0x6b: {  	_ =	shalt  }
0x6c: {  	_ =	shalt  }
0x6d: {  	_ =	shalt  }
0x6e: {  	_ =	shalt  }
0x6f: {  	_ =	shalt  }
0x70: {  	_ =	shalt  }
0x71: {  	_ =	shalt  }
0x72: {  	_ =	shalt  }
0x73: {  	_ =	shalt  }
0x74: {  	_ =	shalt  }
0x75: {  	_ =	shalt  }
0x76: {  	_ =	shalt  }
0x77: {  	_ =	shalt  }
0x78: {  	_ =	shalt  }
0x79: {  	_ =	shalt  }
0x7a: {  	_ =	shalt  }
0x7b: {  	_ =	shalt  }
0x7c: {  	_ =	shalt  }
0x7d: {  	_ =	shalt  }
0x7e: {  	_ =	shalt  }
0x7f: {  	_ =	shalt  }
0x80: {  	_ =	shalt  }
0x81: {  	_ =	shalt  }
0x82: {  	_ =	shalt  }
0x83: {  	_ =	shalt  }
0x84: {  	_ =	shalt  }
0x85: {  	_ =	shalt  }
0x86: {  	_ =	shalt  }
0x87: {  	_ =	shalt  }
.Lfunc_end0:
.L_simem_size_0:
called_computation.3_lowered:
.L_overlay_start_0:
0x88: {  	s2 =	sld [smem:$0x3FD9]  }
0x89: {  	s3 =	sld [smem:$0x3FFE];
	_ =	sdelay $0x1  }
0x8a: {  	s1 =	srdreg.scid  }
0x8b: {  	s0 =	sand.u32 $0x1, s1  }
0x8c: {  	s17 =	sshll.u32 s0, $0xA;
	s2 =	sadd.s32 s3, s2  }
0x8d: {  	s2 =	sadd.s32 s2, s17  }
0x8e: {  	[smem:$0x3FB9] =	sst s2  }
0x8f: {  	_ = 	snop  }
0x90: {  	s2 =	sld [smem:$0x3FC7];
	(tm) =	ssettm $0x1  }
0x91: {  	s18 =	sld [smem:$0x3FFB];
	_ =	sdelay $0x3  }
0x92: {  	_ =	strace s18  }
0x93: {  	s3 =	sld [smem:$0x3FFC];
	_ =	sdelay $0x3  }
0x94: {  	_ =	strace s3  }
0x95: {  	s3 =	sld [smem:$0x3FFD];
	_ =	sdelay $0x3  }
0x96: {  	_ =	strace s3  }
0x97: {  	_ =	strace $0x8FFFFFFF  }
0x98: {  	s19 =	sld [smem:$0x3FDB];
	_ =	sdelay $0x1  }
0x99: {  	s4 =	simm.s32 $_scs_section_size  }
0x9a: {  	s5 =	simm.s32 $_size__tile_overlayer_lowered;
	s6 =	simm.s32 $_tile_overlayer_lowered  }
0x9b: {  	s22 =	simm.s32 $0x1BFF;
	s21 =	sshll.u32 s6, $0x1;
	s3 =	sadd.s32 s4, s19  }
0x9c: {  	s7 =	simm.s32 $0x0;
	s20 =	sshll.u32 s5, $0x1;
	s5 =	sadd.s32 s21, s3  }
0x9d: {  	[timem:s7], [sflag:s22] =	dma.local [hbm:s5], s20  }
0x9e: {  	_ =	swait.ge [sflag:s22], s20  }
0x9f: {  	s4 =	ssub.s32 $0x0, s20;
	[sflag:s22] =	ssyncset.done $0x0  }
0xa0: {  	[sflag:s22] =	ssyncadd.s32 s4;
	_ =	sdelay $0x1  }
0xa1: {  	s23 =	simm.s32 $0x1B8B  }
0xa2: {  	_ =	swait.ge [sflag:s23], $0x1  }
0xa3: {  	[sflag:s23] =	ssyncset.done $0x0  }
0xa4: {  	s25 =	simm.s32 $0x1B8E;
	s24 =	sld [smem:$0x3FFE];
	[sflag:s23] =	ssyncadd.s32 $0xFFFFFFFF  }
0xa5: {  	s26 =	simm.s32 $execute0_lowered;
	[smem:$0x3FD2] =	sst s25  }
0xa6: {  	s5 =	sshll.u32 s26, $0x1;
	_ =	strace $0x8000004F;
	[dreg:$0x1] =	wrdreg $0xFFFFFFFF  }
0xa7: {  	s28 =	simm.s32 $_size_execute0_lowered;
	s3 =	sadd.s32 s3, s5;
	[dreg:$0x0] =	wrdreg $0x0  }
0xa8: {  	s5 =	sshll.u32 s28, $0x1;
	[dreg:$0x2] =	wrdreg s3  }
0xa9: {  	[dreg:$0x3] =	wrdreg s5  }
0xaa: {  	[dreg:$0x4] =	wrdreg $0xC0  }
0xab: {  	_ =	task [dreg:s7], $0x5FFFF  }
0xac: {  	[dreg:$0x1] =	wrdreg $0xFFFFFFFF  }
0xad: {  	[dreg:$0x0] =	wrdreg $0x60  }
0xae: {  	[dreg:$0x2] =	wrdreg s24  }
0xaf: {  	[dreg:$0x3] =	wrdreg s2  }
0xb0: {  	[dreg:$0x4] =	wrdreg $0x1C200  }
0xb1: {  	[dreg:$0x5] =	wrdreg $0x9  }
0xb2: {  	_ =	task.clear_ibuf [dreg:s7], $0x6FFFF;
	_ =	strace $0x9000004F  }
0xb3: {  	s29 =	simm.s32 $0x9;
	_ =	strace $0x80000051  }
0xb4: {  	_ =	swait.ge [sflag:s29], $0x1  }
0xb5: {  	[sflag:s29] =	ssyncadd.s32 $0xFFFFFFFF  }
0xb6: {  	_ =	strace $0x90000051  }
0xb7: {  	_ =	sfence  }
0xb8: {  	s30 =	sld [smem:$0x0];
	_ =	sdelay $0x2  }
0xb9: {  	s31 =	sshll.u32 s1, $0xD;
	s1 =	sshrl.u32 s1, $0x2  }
0xba: {  	s3 =	sand.u32 $0x4000, s31;
	s1 =	sadd.s32 s1, s30  }
0xbb: {  	s0 =	sor.u32 s3, s0;
	s1 =	sshll.u32 s1, $0x11  }
0xbc: {  	s0 =	sor.u32 s1, s0  }
0xbd: {  	s0 =	sadd.s32 $0x8F2B, s0  }
0xbe: {  	[sflag:s0] =	ssyncadd.remote.s32 $0x1  }
0xbf: {  	_ =	sfence.sel $0xFFFF  }
0xc0: {  	[dreg:$0x0] =	wrdreg $0xFFFFFFFF;
	(pc) =	sbr.abs _section_cstart, $3  }
0xc1: {  	[dreg:$0x1] =	wrdreg $0xFFFFFFFF  }
0xc2: {  	_ =	task.clear_ibuf [dreg:s7], $0x2FFFF;
	_ =	strace $0x9FFFFFFF  }
0xc3: {  	(tm) =	ssettm $0x7FFFFFFF  }
tec
execute0_lowered:
.L_overlay_start_1:
0x0: {  	(tag) =	ssettag $0x1  }
0x1: {  	s9 =	rddreg [dreg:$0x0]  }
0x2: {  	s18 =	rddreg [dreg:$0x1]  }
0x3: {  	s2 =	rddreg [dreg:$0x2]  }
0x4: {  	s0 =	rddreg [dreg:$0x3];
	s3 =	simm.s32 $0x0;
	s1 =	stileid.u32  }
0x5: {  	s4 =	srdreg.scid;
	[smem:$0x7FF] =	sst s3  }
0x6: {  	s5 =	sshll.u32 s1, $0x6;
	s21 =	sand.u32 $0x1, s4;
	s28 =	sshll.u32 s1, $0x1  }
0x7: {  	s6 =	sshll.u32 s1, $0x9;
	_ =	strace $0x80000050;
	s20 =	sadd.s32 s5, s9  }
0x8: {  	s12 =	sor.u32 s21, s28;
	s6 =	sadd.s32 s6, s2;
	s5 =	sor.u32 $0x1C01, s5  }
0x9: {  	s4 =	sadd.s32 $0x2E00, s20;
	s7 =	sshrl.u32 s6, $0x3;
	s6 =	simm.s32 $0x1  }
0xa: {  	[spmem:s7], [sflag:s5] =	dma.local [hbm:s4], $0x40  }
0xb: {  	s19 =	smul.u32 $0xC80, s12;
	_ =	swait.ge [sflag:s6], $0x40  }
0xc: {  	[sflag:s6] =	ssyncset.done $0x0  }
0xd: {  	s8 =	sshrl.u32 s19, $0x3;
	[sflag:s6] =	ssyncadd.s32 $0xFFFFFFC0  }
0xe: {  	s8 =	sadd.s32 s18, s8;
	[bflag:$0x0] =	sbarrier.arrive $0xFFFF  }
0xf: {  	[tilespmem:s3], [sflag:$0x1] =	stream.linear.gather [hbm4b:s8+s3], $0x320, $0x38;
	[tilespmem:$0x1E20] =	vst v63  }
0x10: {  	_ =	swait.ge [sflag:s6], $0x320  }
0x11: {  	s22 =	sadd.s32 $0x18AE00, s9;
	[sflag:s6] =	ssyncset.done $0x0  }
0x12: {  	s10 =	simm.s32 $0x320;
	s9 =	sadd.s32 s22, s19;
	[sflag:s6] =	ssyncadd.s32 $0xFFFFFCE0  }
0x13: {  	[tilespmem:s10], [sflag:$0x1] =	stream.linear.gather [hbm4b:s9+s3], $0x1900, $0x38;
	[tilespmem:$0x1E20] =	vst v63  }
0x14: {  	_ =	swait.ge [sflag:s6], $0x1900  }
0x15: {  	[sflag:s6] =	ssyncset.done $0x0  }
0x16: {  	[sflag:s6] =	ssyncadd.s32 $0xFFFFE700  }
0x17: {  	[spmem:s2] =	stream.indirect.scatter.add.f32 [tilespmem:s10], [sflag:$0x1], $0x8, s3, s10, $0xb8;
	[tilespmem:$0x1E20] =	vst v63  }
0x18: {  	p0 =	seq.s32 s12, $0x1F;
	s14 =	sadd.s32 $0x320, s19;
	_ =	swait.ge [sflag:s6], $0x1900  }
0x19: {  	s12 =	simm.s32 @!p0 $0x0;
	s11 =	sshrl.u32 s14, $0x3;
	[sflag:s6] =	ssyncset.done $0x0  }
0x1a: {  	s13 =	simm.s32 @!p0 $0x1;
	s11 =	sadd.s32 s18, s11;
	[sflag:s6] =	ssyncadd.s32 $0xFFFFE700  }
0x1b: {  	[tilespmem:s12], [sflag:$0x1] =	stream.linear.gather @!p0 [hbm4b:s11+s12], $0x320, $0x38;
	[tilespmem:$0x1E20] =	vst v63  }
0x1c: {  	_ =	swait.ge @!p0 [sflag:s13], $0x320  }
0x1d: {  	[sflag:s13] =	ssyncset.done @!p0 $0x0  }
0x1e: {  	s15 =	simm.s32 @!p0 $0x320;
	s14 =	sadd.s32 s22, s14;
	[sflag:s13] =	ssyncadd.s32 @!p0 $0xFFFFFCE0  }
0x1f: {  	[tilespmem:s15], [sflag:$0x1] =	stream.linear.gather @!p0 [hbm4b:s14+s12], $0x1900, $0x38;
	[tilespmem:$0x1E20] =	vst v63  }
0x20: {  	_ =	swait.ge @!p0 [sflag:s13], $0x1900  }
0x21: {  	[sflag:s13] =	ssyncset.done @!p0 $0x0  }
0x22: {  	[sflag:s13] =	ssyncadd.s32 @!p0 $0xFFFFE700  }
0x23: {  	[spmem:s2] =	stream.indirect.scatter.add.f32 @!p0 [tilespmem:s15], [sflag:$0x1], $0x8, s12, s15, $0xb8;
	[tilespmem:$0x1E20] =	vst v63  }
0x24: {  	s17 =	sadd.s32 $0x640, s19;
	_ =	swait.ge @!p0 [sflag:s13], $0x1900  }
0x25: {  	s16 =	sshrl.u32 s17, $0x3;
	[sflag:s13] =	ssyncset.done @!p0 $0x0  }
0x26: {  	s16 =	sadd.s32 s18, s16;
	[sflag:s13] =	ssyncadd.s32 @!p0 $0xFFFFE700  }
0x27: {  	[tilespmem:s12], [sflag:$0x1] =	stream.linear.gather @!p0 [hbm4b:s16+s12], $0x320, $0x38;
	[tilespmem:$0x1E20] =	vst v63  }
0x28: {  	_ =	swait.ge @!p0 [sflag:s13], $0x320  }
0x29: {  	[sflag:s13] =	ssyncset.done @!p0 $0x0  }
0x2a: {  	s17 =	sadd.s32 s22, s17;
	[sflag:s13] =	ssyncadd.s32 @!p0 $0xFFFFFCE0  }
0x2b: {  	[tilespmem:s15], [sflag:$0x1] =	stream.linear.gather @!p0 [hbm4b:s17+s12], $0x1900, $0x38;
	[tilespmem:$0x1E20] =	vst v63  }
0x2c: {  	_ =	swait.ge @!p0 [sflag:s13], $0x1900  }
0x2d: {  	[sflag:s13] =	ssyncset.done @!p0 $0x0  }
0x2e: {  	[sflag:s13] =	ssyncadd.s32 @!p0 $0xFFFFE700  }
0x2f: {  	[spmem:s2] =	stream.indirect.scatter.add.f32 @!p0 [tilespmem:s15], [sflag:$0x1], $0x8, s12, s15, $0xb8;
	[tilespmem:$0x1E20] =	vst v63  }
0x30: {  	s19 =	sadd.s32 $0x960, s19;
	_ =	swait.ge @!p0 [sflag:s13], $0x1900  }
0x31: {  	s23 =	sshrl.u32 s19, $0x3;
	[sflag:s13] =	ssyncset.done @!p0 $0x0  }
0x32: {  	s18 =	sadd.s32 s18, s23;
	[sflag:s13] =	ssyncadd.s32 @!p0 $0xFFFFE700  }
0x33: {  	[tilespmem:s12], [sflag:$0x1] =	stream.linear.gather @!p0 [hbm4b:s18+s12], $0x320, $0x38;
	[tilespmem:$0x1E20] =	vst v63  }
0x34: {  	_ =	swait.ge @!p0 [sflag:s13], $0x320  }
0x35: {  	[sflag:s13] =	ssyncset.done @!p0 $0x0  }
0x36: {  	s29 =	ssub.s32 $0x2, s21;
	s19 =	sadd.s32 s22, s19;
	[sflag:s13] =	ssyncadd.s32 @!p0 $0xFFFFFCE0  }
0x37: {  	[tilespmem:s15], [sflag:$0x1] =	stream.linear.gather @!p0 [hbm4b:s19+s12], $0x1900, $0x38;
	[tilespmem:$0x1E20] =	vst v63  }
0x38: {  	s30 =	sshrl.u32 s29, $0x1;
	_ =	swait.ge @!p0 [sflag:s13], $0x1900  }
0x39: {  	s22 =	ssub.s32 s29, s30;
	[sflag:s13] =	ssyncset.done @!p0 $0x0  }
0x3a: {  	s21 =	sshll.u32 s21, $0xA;
	s31 =	smax.u32 s22, $0x1;
	[sflag:s13] =	ssyncadd.s32 @!p0 $0xFFFFE700  }
0x3b: {  	[spmem:s2] =	stream.indirect.scatter.add.f32 @!p0 [tilespmem:s15], [sflag:$0x1], $0x8, s12, s15, $0xb8;
	[tilespmem:$0x1E20] =	vst v63  }
0x3c: {  	s20 =	sadd.s32 s21, s20;
	s21 =	sadd.s32 $0xFFFFFFFF, s31;
	_ =	swait.ge @!p0 [sflag:s13], $0x1900  }
0x3d: {  	p1 =	sne.s32 s21, $0x0;
	[sflag:s13] =	ssyncset.done @!p0 $0x0  }
.Ltmp0:
0x3e: {  	[sflag:s13] =	ssyncadd.s32 @!p0 $0xFFFFE700;
	(pc) =	sbr.rel @!p1 .LBB2_2-.Ltmp0, $4  }
0x3f: {  	s20 =	sadd.s32 $0x3200, s20;
	[bflag:$0x0] =	sbarrier.arrive $0xFFFF  }
0x40: {  	[hbm:s20], [sflag:s5] =	dma.local [spmem:s7], $0x40  }
0x41: {  	_ =	swait.ge [sflag:s6], $0x40  }
0x42: {  	[sflag:s6] =	ssyncset.done $0x0  }
.LBB2_1:
0x43: {  	s21 =	sadd.s32 $0xFFFFFFFF, s21;
	[sflag:s6] =	ssyncadd.s32 $0xFFFFFFC0  }
0x44: {  	[spmem:s7], [sflag:s5] =	dma.local [hbm:s4], $0x40  }
0x45: {  	p1 =	sne.s32 s21, $0x0;
	_ =	swait.ge [sflag:s6], $0x40  }
0x46: {  	[sflag:s6] =	ssyncset.done $0x0  }
0x47: {  	[sflag:s6] =	ssyncadd.s32 $0xFFFFFFC0  }
0x48: {  	[bflag:$0x0] =	sbarrier.arrive $0xFFFF  }
0x49: {  	[tilespmem:s3], [sflag:$0x1] =	stream.linear.gather [hbm4b:s8+s3], $0x320, $0x38;
	[tilespmem:$0x1E20] =	vst v63  }
0x4a: {  	_ =	swait.ge [sflag:s6], $0x320  }
0x4b: {  	[sflag:s6] =	ssyncset.done $0x0  }
0x4c: {  	[sflag:s6] =	ssyncadd.s32 $0xFFFFFCE0  }
0x4d: {  	[tilespmem:s10], [sflag:$0x1] =	stream.linear.gather [hbm4b:s9+s3], $0x1900, $0x38;
	[tilespmem:$0x1E20] =	vst v63  }
0x4e: {  	_ =	swait.ge [sflag:s6], $0x1900  }
0x4f: {  	[sflag:s6] =	ssyncset.done $0x0  }
0x50: {  	[sflag:s6] =	ssyncadd.s32 $0xFFFFE700  }
0x51: {  	[spmem:s2] =	stream.indirect.scatter.add.f32 [tilespmem:s10], [sflag:$0x1], $0x8, s3, s10, $0xb8;
	[tilespmem:$0x1E20] =	vst v63  }
0x52: {  	_ =	swait.ge [sflag:s6], $0x1900  }
0x53: {  	[sflag:s6] =	ssyncset.done $0x0  }
0x54: {  	[sflag:s6] =	ssyncadd.s32 $0xFFFFE700  }
0x55: {  	[tilespmem:s12], [sflag:$0x1] =	stream.linear.gather @!p0 [hbm4b:s11+s12], $0x320, $0x38;
	[tilespmem:$0x1E20] =	vst v63  }
0x56: {  	_ =	swait.ge @!p0 [sflag:s13], $0x320  }
0x57: {  	[sflag:s13] =	ssyncset.done @!p0 $0x0  }
0x58: {  	[sflag:s13] =	ssyncadd.s32 @!p0 $0xFFFFFCE0  }
0x59: {  	[tilespmem:s15], [sflag:$0x1] =	stream.linear.gather @!p0 [hbm4b:s14+s12], $0x1900, $0x38;
	[tilespmem:$0x1E20] =	vst v63  }
0x5a: {  	_ =	swait.ge @!p0 [sflag:s13], $0x1900  }
0x5b: {  	[sflag:s13] =	ssyncset.done @!p0 $0x0  }
0x5c: {  	[sflag:s13] =	ssyncadd.s32 @!p0 $0xFFFFE700  }
0x5d: {  	[spmem:s2] =	stream.indirect.scatter.add.f32 @!p0 [tilespmem:s15], [sflag:$0x1], $0x8, s12, s15, $0xb8;
	[tilespmem:$0x1E20] =	vst v63  }
0x5e: {  	_ =	swait.ge @!p0 [sflag:s13], $0x1900  }
0x5f: {  	[sflag:s13] =	ssyncset.done @!p0 $0x0  }
0x60: {  	[sflag:s13] =	ssyncadd.s32 @!p0 $0xFFFFE700  }
0x61: {  	[tilespmem:s12], [sflag:$0x1] =	stream.linear.gather @!p0 [hbm4b:s16+s12], $0x320, $0x38;
	[tilespmem:$0x1E20] =	vst v63  }
0x62: {  	_ =	swait.ge @!p0 [sflag:s13], $0x320  }
0x63: {  	[sflag:s13] =	ssyncset.done @!p0 $0x0  }
0x64: {  	[sflag:s13] =	ssyncadd.s32 @!p0 $0xFFFFFCE0  }
0x65: {  	[tilespmem:s15], [sflag:$0x1] =	stream.linear.gather @!p0 [hbm4b:s17+s12], $0x1900, $0x38;
	[tilespmem:$0x1E20] =	vst v63  }
0x66: {  	_ =	swait.ge @!p0 [sflag:s13], $0x1900  }
0x67: {  	[sflag:s13] =	ssyncset.done @!p0 $0x0  }
0x68: {  	[sflag:s13] =	ssyncadd.s32 @!p0 $0xFFFFE700  }
0x69: {  	[spmem:s2] =	stream.indirect.scatter.add.f32 @!p0 [tilespmem:s15], [sflag:$0x1], $0x8, s12, s15, $0xb8;
	[tilespmem:$0x1E20] =	vst v63  }
0x6a: {  	_ =	swait.ge @!p0 [sflag:s13], $0x1900  }
0x6b: {  	[sflag:s13] =	ssyncset.done @!p0 $0x0  }
0x6c: {  	[sflag:s13] =	ssyncadd.s32 @!p0 $0xFFFFE700  }
0x6d: {  	[tilespmem:s12], [sflag:$0x1] =	stream.linear.gather @!p0 [hbm4b:s18+s12], $0x320, $0x38;
	[tilespmem:$0x1E20] =	vst v63  }
0x6e: {  	_ =	swait.ge @!p0 [sflag:s13], $0x320  }
0x6f: {  	[sflag:s13] =	ssyncset.done @!p0 $0x0  }
0x70: {  	[sflag:s13] =	ssyncadd.s32 @!p0 $0xFFFFFCE0  }
0x71: {  	[tilespmem:s15], [sflag:$0x1] =	stream.linear.gather @!p0 [hbm4b:s19+s12], $0x1900, $0x38;
	[tilespmem:$0x1E20] =	vst v63  }
0x72: {  	_ =	swait.ge @!p0 [sflag:s13], $0x1900  }
0x73: {  	[sflag:s13] =	ssyncset.done @!p0 $0x0  }
0x74: {  	[sflag:s13] =	ssyncadd.s32 @!p0 $0xFFFFE700  }
0x75: {  	[spmem:s2] =	stream.indirect.scatter.add.f32 @!p0 [tilespmem:s15], [sflag:$0x1], $0x8, s12, s15, $0xb8;
	[tilespmem:$0x1E20] =	vst v63  }
0x76: {  	_ =	swait.ge @!p0 [sflag:s13], $0x1900  }
0x77: {  	[sflag:s13] =	ssyncset.done @!p0 $0x0  }
.Ltmp1:
0x78: {  	[sflag:s13] =	ssyncadd.s32 @!p0 $0xFFFFE700;
	(pc) =	sbr.rel @p1 .LBB2_1-.Ltmp1, $4  }
0x79: {  	[bflag:$0x0] =	sbarrier.arrive $0xFFFF  }
0x7a: {  	[hbm:s20], [sflag:s5] =	dma.local [spmem:s7], $0x40  }
0x7b: {  	_ =	swait.ge [sflag:s6], $0x40  }
0x7c: {  	[sflag:s6] =	ssyncset.done $0x0  }
.LBB2_2:
0x7d: {  	[sflag:s6] =	ssyncadd.s32 $0xFFFFFFC0  }
0x7e: {  	_ =	sfence.sel $0x180000  }
0x7f: {  	[bflag:$0x0] =	sbarrier.arrive $0xFFFF  }
0x80: {  	p0 =	sne.s32 s1, $0x0;
	_ =	strace $0x90000050  }
0x81: {  	s0 =	sadd.s32 @!p0 $0x100000, s0;
	[bflag:$0x2] =	sbarrier.arrive $0xFFFF  }
0x82: {  	[sflag:s0] =	ssyncadd.tile.s32 @!p0 $0x1;
	_ =	shalt  }
.Lfunc_end2:
_tile_overlayer_lowered:
.L_overlay_start_2:
0x83: {  	(tag) =	ssettag $0x2  }
0x84: {  	s0 =	rddreg [dreg:$0x0];
	s2 =	stileid.u32  }
0x85: {  	s1 =	rddreg [dreg:$0x1];
	p0 =	sne.s32 s2, $0x0  }
0x86: {  	s3 =	rddreg [dreg:$0x2];
	[bflag:$0x3] =	sbarrier.arrive $0xFFFF;
	s2 =	simm.s32 @!p0 $0x1C01  }
0x87: {  	[timem:s3], [sflag:s2] =	dma.local @!p0 [hbm:s0], s1  }
0x88: {  	s0 =	simm.s32 @!p0 $0x1  }
0x89: {  	_ =	swait.ge @!p0 [sflag:s0], s1  }
0x8a: {  	s1 =	ssub.s32 @!p0 $0x0, s1;
	[sflag:s0] =	ssyncset.done @!p0 $0x0  }
0x8b: {  	[sflag:s0] =	ssyncadd.s32 @!p0 s1  }
0x8c: {  	[bflag:$0x3] =	sbarrier.arrive $0xFFFF  }
0x8d: {  	_ =	shalt  }

</sc_bundles>
